<compile_context>
chip_gen: v7x
topology: tpu7x:2x2x1
jax: 0.10.2.dev20260603
libtpu: 0.0.44.dev20260713+nightly
codegen_flags: <defaults>
</compile_context>

<pallas_src>
import functools
import math

import jax
import jax.numpy as jnp
from jax.experimental import pallas as pl
from jax.experimental.pallas import tpu as pltpu
from jax.experimental.pallas import tpu_sc as plsc

_NUM_SEGMENTS = 16
_SUB = 512


def _transpose_sc_body(x_hbm, xt_hbm, rows_v, xt_v, lanes16):
    n, d = x_hbm.shape
    ncores = jax.lax.axis_size("c")
    nsub = jax.lax.axis_size("s")
    wid = jax.lax.axis_index("s") * ncores + jax.lax.axis_index("c")
    tpw = n // (ncores * nsub)
    lanes16[...] = jax.lax.iota(jnp.int32, 16)
    for sub in range(tpw // _SUB):
        base = wid * tpw + sub * _SUB
        pltpu.sync_copy(x_hbm.at[pl.ds(base, _SUB), :], rows_v)

        def t_step(t0, _):
            ridx = lanes16[...] + t0 * 16
            for dd in range(d):
                cidx = jnp.full((16,), dd, jnp.int32)
                v = plsc.load_gather(rows_v, [ridx, cidx])
                xt_v[dd, pl.ds(t0 * 16, 16)] = v
            return 0

        jax.lax.fori_loop(0, _SUB // 16, t_step, 0)
        pltpu.sync_copy(xt_v, xt_hbm.at[:, pl.ds(base, _SUB)])


def _transpose_sc(x):
    n, d = x.shape
    mesh = plsc.VectorSubcoreMesh(core_axis_name="c", subcore_axis_name="s")
    return pl.kernel(
        _transpose_sc_body,
        mesh=mesh,
        compiler_params=pltpu.CompilerParams(needs_layout_passes=False),
        out_type=jax.ShapeDtypeStruct((d, n), jnp.float32),
        scratch_types=[pltpu.VMEM((_SUB, d), jnp.float32),
                       pltpu.VMEM((d, _SUB), jnp.float32),
                       pltpu.VMEM((16,), jnp.int32)],
    )(x)


def _seg_softmax_body(xt_ref, seg_ref, w_ref, out_ref):
    xt = xt_ref[...]
    seg = seg_ref[...]
    w = w_ref[...]
    s = jax.lax.dot_general(w, xt, (((0,), (0,)), ((), ())),
                            preferred_element_type=jnp.float32)
    gmax = jnp.max(s, axis=1, keepdims=True)
    e = jnp.exp(s - gmax)
    onehot = (seg == jax.lax.broadcasted_iota(
        jnp.int32, (_NUM_SEGMENTS, 1), 0)).astype(jnp.float32)
    denom = jax.lax.dot_general(e, onehot, (((1,), (1,)), ((), ())),
                                preferred_element_type=jnp.float32)
    d_tok = jnp.dot(denom, onehot,
                    preferred_element_type=jnp.float32)
    out_ref[...] = e / d_tok


def kernel(inputs, segment_ids, lengths, W1, b1, W2, b2, W3, b3, Wr, br,
           W_k, W_q):
    del lengths, W1, b1, W2, b2, W3, b3, Wr, br
    n, d = inputs.shape
    h, dp = W_q.shape
    w_eff = jnp.einsum('dhp,hp->dh', W_k[:d].reshape(d, h, dp),
                       W_q) / math.sqrt(dp)
    seg = segment_ids.astype(jnp.int32).reshape(1, n)
    xt = _transpose_sc(inputs)
    out = pl.pallas_call(
        _seg_softmax_body,
        out_shape=jax.ShapeDtypeStruct((h, n), jnp.float32),
    )(xt, seg, w_eff)
    return out[:, :, None]

# --- scband reference (transcript-rebuilt; emitter-appended) ---
"""Pipeline reference for scband-set-attention-layer-45148696215780 (READ-ONLY COPY).

The authoritative reference and input builder live on the scoring server;
editing this copy changes nothing except your own understanding.
"""

import jax, jax.numpy as jnp
import numpy as np

N_TOKENS = 32768
B = 16
D_IN = 64
WIDTH = 64
LATENT = 64
DP = 16
H = 4


def _he_uniform(key, fan_in, shape):
    limit = np.sqrt(6.0 / fan_in)
    return jax.random.uniform(key, shape, jnp.float32, -limit, limit)


def setup_inputs(seed: int = 0) -> dict:
    key = jax.random.key(seed)
    ks = jax.random.split(key, 12)
    inputs = jax.random.normal(ks[0], (N_TOKENS, D_IN), jnp.float32)
    segment_ids = jnp.sort(jax.random.randint(ks[1], (N_TOKENS,), 0, B)).astype(jnp.int64)
    lengths = jax.random.randint(ks[2], (B,), 1, 4096).astype(jnp.int32)
    # psi: Dense(WIDTH,relu) x n_layers then Dense(LATENT,relu)
    W1 = _he_uniform(ks[3], D_IN, (D_IN, WIDTH)); b1 = jnp.zeros((WIDTH,), jnp.float32)
    W2 = _he_uniform(ks[4], WIDTH, (WIDTH, WIDTH)); b2 = jnp.zeros((WIDTH,), jnp.float32)
    W3 = _he_uniform(ks[5], WIDTH, (WIDTH, LATENT)); b3 = jnp.zeros((LATENT,), jnp.float32)
    # rho: Dense(LATENT, relu)
    Wr = _he_uniform(ks[6], LATENT, (LATENT, LATENT)); br = jnp.zeros((LATENT,), jnp.float32)
    W_k = _he_uniform(ks[7], LATENT + D_IN, (LATENT + D_IN, DP * H))
    # W_q is zeros-initialized in the module; use a small random value so softmax is non-degenerate
    W_q = jax.random.normal(ks[8], (H, DP), jnp.float32) * 0.02
    return {"inputs": inputs, "segment_ids": segment_ids, "lengths": lengths,
            "W1": W1, "b1": b1, "W2": W2, "b2": b2, "W3": W3, "b3": b3,
            "Wr": Wr, "br": br, "W_k": W_k, "W_q": W_q}


def reference(inputs, segment_ids, lengths, W1, b1, W2, b2, W3, b3, Wr, br, W_k, W_q):
    relu = jax.nn.relu
    # psi
    h = relu(inputs @ W1 + b1)
    h = relu(h @ W2 + b2)
    encoded = relu(h @ W3 + b3)
    # segment mean aggregation
    seg_sum = jax.ops.segment_sum(encoded, segment_ids, num_segments=B)
    counts = jax.ops.segment_sum(jnp.ones((encoded.shape[0], 1), jnp.float32), segment_ids, num_segments=B)
    agg = seg_sum / jnp.maximum(counts, 1.0)
    # rho
    agg = relu(agg @ Wr + br)
    # scatter aggregated representation back to tokens (gather_nd)
    agg_scattered = agg[segment_ids]
    combined = jnp.concatenate([inputs, agg_scattered], axis=-1)
    keys = combined @ W_k                                   # [N, H*DP]
    keys = jnp.stack(jnp.split(keys, H, axis=-1), axis=1)   # [N, H, DP]
    preattn = jnp.einsum('nhd,hd->nh', keys, W_q) / jnp.sqrt(float(DP))  # [N, H]
    preattn = preattn[..., None]                            # [N, H, 1]
    # inference path: no attention dropout
    attentions = []
    for i in range(H):
        p = preattn[:, i, :]                                # [N, 1]
        seg_max = jax.ops.segment_max(p, segment_ids, num_segments=B)
        e = jnp.exp(p - seg_max[segment_ids])
        denom = jax.ops.segment_sum(e, segment_ids, num_segments=B)
        attentions.append(e / denom[segment_ids])
    return jnp.stack(attentions, axis=0)                    # [H, N, 1]

if __name__ == "__main__":
    import jax
    _d = setup_inputs()
    print(jax.jit(kernel)(*tuple(_d.values())))

</pallas_src>

<mosaic_0001>
#map = affine_map<(d0, d1) -> (0, 0)>
module attributes {stable_mosaic.version = 14 : i64} {
  func.func @_transpose_sc_body(%arg0: i32, %arg1: i32, %arg2: memref<32768x64xf32, #tpu.memory_space<hbm>>, %arg3: memref<64x32768xf32, #tpu.memory_space<hbm>>, %arg4: memref<512x64xf32, #tpu.memory_space<vmem>>, %arg5: memref<64x512xf32, #tpu.memory_space<vmem>>, %arg6: memref<16xi32, #tpu.memory_space<vmem>>) attributes {dimension_semantics = [#tpu.dimension_semantics<core_parallel>, #tpu.dimension_semantics<subcore_parallel>], iteration_bounds = array<i64: 2, 16>, scalar_prefetch = 0 : i64, scratch_operands = 3 : i64, tpu.core_type = #tpu.core_type<sc_vector_subcore>, window_params = [{transform_indices = #map}, {transform_indices = #map}]} {
    %mul3A = arith.constant 2 : i32
    %mul3A_0 = arith.muli %arg1, %mul3A : i32
    %add3A = arith.addi %mul3A_0, %arg0 : i32
    %iota3A = tpu.iota {dimensions = array<i32: 0>} : vector<16xi32>
    %swap3A = arith.constant 0 : index
    %swap3A_1 = tpu.vector_load %arg6[%swap3A] {strides = array<i32>} : memref<16xi32, #tpu.memory_space<vmem>>, vector<16xi32>,
    tpu.vector_store %arg6[%swap3A], %iota3A {strides = array<i32>} : memref<16xi32, #tpu.memory_space<vmem>>, vector<16xi32>,
    %mul3A_2 = arith.constant 1024 : i32
    %mul3A_3 = arith.muli %add3A, %mul3A_2 : i32
    %add3A_4 = arith.constant 0 : i32
    %add3A_5 = arith.addi %mul3A_3, %add3A_4 : i32
    "tpu.region"() ({
      %run_scoped3A = tpu.sem_alloc : memref<!tpu.dma_semaphore, #tpu.memory_space<semaphore_mem>>
      %dma_start3A = arith.constant 0 : i32
      %dma_start3A_23 = tpu.memref_slice %arg2[%add3A_5, %dma_start3A] : memref<32768x64xf32, #tpu.memory_space<hbm>> -> memref<512x64xf32, #tpu.memory_space<hbm>>
      %dma_start3A_24 = arith.constant 0 : i32
      %dma_start3A_25 = tpu.memref_slice %arg2[%add3A_5, %dma_start3A_24] : memref<32768x64xf32, #tpu.memory_space<hbm>> -> memref<512x64xf32, #tpu.memory_space<hbm>>
      tpu.enqueue_dma source(%dma_start3A_25 : memref<512x64xf32, #tpu.memory_space<hbm>>) target(%arg4 : memref<512x64xf32, #tpu.memory_space<vmem>>) target_semaphore(%run_scoped3A : memref<!tpu.dma_semaphore, #tpu.memory_space<semaphore_mem>>)
      %dma_wait3A = arith.constant 0 : i32
      %dma_wait3A_26 = tpu.memref_slice %arg2[%add3A_5, %dma_wait3A] : memref<32768x64xf32, #tpu.memory_space<hbm>> -> memref<512x64xf32, #tpu.memory_space<hbm>>
      %dma_wait3A_27 = arith.constant 0 : i32
      %dma_wait3A_28 = tpu.memref_slice %arg2[%add3A_5, %dma_wait3A_27] : memref<32768x64xf32, #tpu.memory_space<hbm>> -> memref<512x64xf32, #tpu.memory_space<hbm>>
      tpu.wait_dma2 semaphore(%run_scoped3A : memref<!tpu.dma_semaphore, #tpu.memory_space<semaphore_mem>>) src(%dma_wait3A_28 : memref<512x64xf32, #tpu.memory_space<hbm>>) dst(%arg4 : memref<512x64xf32, #tpu.memory_space<vmem>>)
      tpu.yield
    }) : () -> ()
    %scan3A = arith.constant 0 : i32
    %scan3A_6 = arith.constant 0 : i32
    %scan3A_7 = arith.constant 32 : i32
    %scan3A_8 = arith.addi %scan3A_6, %scan3A_7 : i32
    %scan3A_9 = arith.constant 1 : i32
    %scan3A_10 = scf.for %scan3A_23 = %scan3A_6 to %scan3A_8 step %scan3A_9 iter_args(%scan3A_24 = %scan3A) -> (i32)  : i32 {
      %get3A = arith.constant 0 : index
      %get3A_25 = tpu.vector_load %arg6[%get3A] {strides = array<i32>} : memref<16xi32, #tpu.memory_space<vmem>>, vector<16xi32>,
      %mul3A_26 = arith.constant 16 : i32
      %mul3A_27 = arith.muli %scan3A_23, %mul3A_26 : i32
      %add3A_28 = vector.broadcast %mul3A_27 : i32 to vector<16xi32>
      %add3A_29 = arith.addi %get3A_25, %add3A_28 : vector<16xi32>
      %broadcast_in_dim3A = arith.constant 0 : i32
      %broadcast_in_dim3A_30 = vector.broadcast %broadcast_in_dim3A : i32 to vector<16xi32>
      %gather3A = tpu.vector_load_idx %arg4[%add3A_29, %broadcast_in_dim3A_30] : memref<512x64xf32, #tpu.memory_space<vmem>>[vector<16xi32>, vector<16xi32>], vector<16xf32>,
      %mul3A_31 = arith.constant 16 : i32
      %mul3A_32 = arith.muli %scan3A_23, %mul3A_31 : i32
      %swap3A_33 = arith.constant 0 : i32
      %swap3A_34 = arith.index_cast %swap3A_33 : i32 to index
      %swap3A_35 = arith.index_cast %mul3A_32 : i32 to index
      %swap3A_36 = tpu.vector_load %arg5[%swap3A_34, %swap3A_35] {strides = array<i32>} : memref<64x512xf32, #tpu.memory_space<vmem>>, vector<16xf32>,
      tpu.vector_store %arg5[%swap3A_34, %swap3A_35], %gather3A {strides = array<i32>} : memref<64x512xf32, #tpu.memory_space<vmem>>, vector<16xf32>,
      %broadcast_in_dim3A_37 = arith.constant 1 : i32
      %broadcast_in_dim3A_38 = vector.broadcast %broadcast_in_dim3A_37 : i32 to vector<16xi32>
      %gather3A_39 = tpu.vector_load_idx %arg4[%add3A_29, %broadcast_in_dim3A_38] : memref<512x64xf32, #tpu.memory_space<vmem>>[vector<16xi32>, vector<16xi32>], vector<16xf32>,
      %mul3A_40 = arith.constant 16 : i32
      %mul3A_41 = arith.muli %scan3A_23, %mul3A_40 : i32
      %swap3A_42 = arith.constant 1 : i32
      %swap3A_43 = arith.index_cast %swap3A_42 : i32 to index
      %swap3A_44 = arith.index_cast %mul3A_41 : i32 to index
      %swap3A_45 = tpu.vector_load %arg5[%swap3A_43, %swap3A_44] {strides = array<i32>} : memref<64x512xf32, #tpu.memory_space<vmem>>, vector<16xf32>,
      tpu.vector_store %arg5[%swap3A_43, %swap3A_44], %gather3A_39 {strides = array<i32>} : memref<64x512xf32, #tpu.memory_space<vmem>>, vector<16xf32>,
      %broadcast_in_dim3A_46 = arith.constant 2 : i32
      %broadcast_in_dim3A_47 = vector.broadcast %broadcast_in_dim3A_46 : i32 to vector<16xi32>
      %gather3A_48 = tpu.vector_load_idx %arg4[%add3A_29, %broadcast_in_dim3A_47] : memref<512x64xf32, #tpu.memory_space<vmem>>[vector<16xi32>, vector<16xi32>], vector<16xf32>,
      %mul3A_49 = arith.constant 16 : i32
      %mul3A_50 = arith.muli %scan3A_23, %mul3A_49 : i32
      %swap3A_51 = arith.constant 2 : i32
      %swap3A_52 = arith.index_cast %swap3A_51 : i32 to index
      %swap3A_53 = arith.index_cast %mul3A_50 : i32 to index
      %swap3A_54 = tpu.vector_load %arg5[%swap3A_52, %swap3A_53] {strides = array<i32>} : memref<64x512xf32, #tpu.memory_space<vmem>>, vector<16xf32>,
      tpu.vector_store %arg5[%swap3A_52, %swap3A_53], %gather3A_48 {strides = array<i32>} : memref<64x512xf32, #tpu.memory_space<vmem>>, vector<16xf32>,
      %broadcast_in_dim3A_55 = arith.constant 3 : i32
      %broadcast_in_dim3A_56 = vector.broadcast %broadcast_in_dim3A_55 : i32 to vector<16xi32>
      %gather3A_57 = tpu.vector_load_idx %arg4[%add3A_29, %broadcast_in_dim3A_56] : memref<512x64xf32, #tpu.memory_space<vmem>>[vector<16xi32>, vector<16xi32>], vector<16xf32>,
      %mul3A_58 = arith.constant 16 : i32
      %mul3A_59 = arith.muli %scan3A_23, %mul3A_58 : i32
      %swap3A_60 = arith.constant 3 : i32
      %swap3A_61 = arith.index_cast %swap3A_60 : i32 to index
      %swap3A_62 = arith.index_cast %mul3A_59 : i32 to index
      %swap3A_63 = tpu.vector_load %arg5[%swap3A_61, %swap3A_62] {strides = array<i32>} : memref<64x512xf32, #tpu.memory_space<vmem>>, vector<16xf32>,
      tpu.vector_store %arg5[%swap3A_61, %swap3A_62], %gather3A_57 {strides = array<i32>} : memref<64x512xf32, #tpu.memory_space<vmem>>, vector<16xf32>,
      %broadcast_in_dim3A_64 = arith.constant 4 : i32
      %broadcast_in_dim3A_65 = vector.broadcast %broadcast_in_dim3A_64 : i32 to vector<16xi32>
      %gather3A_66 = tpu.vector_load_idx %arg4[%add3A_29, %broadcast_in_dim3A_65] : memref<512x64xf32, #tpu.memory_space<vmem>>[vector<16xi32>, vector<16xi32>], vector<16xf32>,
      %mul3A_67 = arith.constant 16 : i32
      %mul3A_68 = arith.muli %scan3A_23, %mul3A_67 : i32
      %swap3A_69 = arith.constant 4 : i32
      %swap3A_70 = arith.index_cast %swap3A_69 : i32 to index
      %swap3A_71 = arith.index_cast %mul3A_68 : i32 to index
      %swap3A_72 = tpu.vector_load %arg5[%swap3A_70, %swap3A_71] {strides = array<i32>} : memref<64x512xf32, #tpu.memory_space<vmem>>, vector<16xf32>,
      tpu.vector_store %arg5[%swap3A_70, %swap3A_71], %gather3A_66 {strides = array<i32>} : memref<64x512xf32, #tpu.memory_space<vmem>>, vector<16xf32>,
      %broadcast_in_dim3A_73 = arith.constant 5 : i32
      %broadcast_in_dim3A_74 = vector.broadcast %broadcast_in_dim3A_73 : i32 to vector<16xi32>
      %gather3A_75 = tpu.vector_load_idx %arg4[%add3A_29, %broadcast_in_dim3A_74] : memref<512x64xf32, #tpu.memory_space<vmem>>[vector<16xi32>, vector<16xi32>], vector<16xf32>,
      %mul3A_76 = arith.constant 16 : i32
      %mul3A_77 = arith.muli %scan3A_23, %mul3A_76 : i32
      %swap3A_78 = arith.constant 5 : i32
      %swap3A_79 = arith.index_cast %swap3A_78 : i32 to index
      %swap3A_80 = arith.index_cast %mul3A_77 : i32 to index
      %swap3A_81 = tpu.vector_load %arg5[%swap3A_79, %swap3A_80] {strides = array<i32>} : memref<64x512xf32, #tpu.memory_space<vmem>>, vector<16xf32>,
      tpu.vector_store %arg5[%swap3A_79, %swap3A_80], %gather3A_75 {strides = array<i32>} : memref<64x512xf32, #tpu.memory_space<vmem>>, vector<16xf32>,
      %broadcast_in_dim3A_82 = arith.constant 6 : i32
      %broadcast_in_dim3A_83 = vector.broadcast %broadcast_in_dim3A_82 : i32 to vector<16xi32>
      %gather3A_84 = tpu.vector_load_idx %arg4[%add3A_29, %broadcast_in_dim3A_83] : memref<512x64xf32, #tpu.memory_space<vmem>>[vector<16xi32>, vector<16xi32>], vector<16xf32>,
      %mul3A_85 = arith.constant 16 : i32
      %mul3A_86 = arith.muli %scan3A_23, %mul3A_85 : i32
      %swap3A_87 = arith.constant 6 : i32
      %swap3A_88 = arith.index_cast %swap3A_87 : i32 to index
      %swap3A_89 = arith.index_cast %mul3A_86 : i32 to index
      %swap3A_90 = tpu.vector_load %arg5[%swap3A_88, %swap3A_89] {strides = array<i32>} : memref<64x512xf32, #tpu.memory_space<vmem>>, vector<16xf32>,
      tpu.vector_store %arg5[%swap3A_88, %swap3A_89], %gather3A_84 {strides = array<i32>} : memref<64x512xf32, #tpu.memory_space<vmem>>, vector<16xf32>,
      %broadcast_in_dim3A_91 = arith.constant 7 : i32
      %broadcast_in_dim3A_92 = vector.broadcast %broadcast_in_dim3A_91 : i32 to vector<16xi32>
      %gather3A_93 = tpu.vector_load_idx %arg4[%add3A_29, %broadcast_in_dim3A_92] : memref<512x64xf32, #tpu.memory_space<vmem>>[vector<16xi32>, vector<16xi32>], vector<16xf32>,
      %mul3A_94 = arith.constant 16 : i32
      %mul3A_95 = arith.muli %scan3A_23, %mul3A_94 : i32
      %swap3A_96 = arith.constant 7 : i32
      %swap3A_97 = arith.index_cast %swap3A_96 : i32 to index
      %swap3A_98 = arith.index_cast %mul3A_95 : i32 to index
      %swap3A_99 = tpu.vector_load %arg5[%swap3A_97, %swap3A_98] {strides = array<i32>} : memref<64x512xf32, #tpu.memory_space<vmem>>, vector<16xf32>,
      tpu.vector_store %arg5[%swap3A_97, %swap3A_98], %gather3A_93 {strides = array<i32>} : memref<64x512xf32, #tpu.memory_space<vmem>>, vector<16xf32>,
      %broadcast_in_dim3A_100 = arith.constant 8 : i32
      %broadcast_in_dim3A_101 = vector.broadcast %broadcast_in_dim3A_100 : i32 to vector<16xi32>
      %gather3A_102 = tpu.vector_load_idx %arg4[%add3A_29, %broadcast_in_dim3A_101] : memref<512x64xf32, #tpu.memory_space<vmem>>[vector<16xi32>, vector<16xi32>], vector<16xf32>,
      %mul3A_103 = arith.constant 16 : i32
      %mul3A_104 = arith.muli %scan3A_23, %mul3A_103 : i32
      %swap3A_105 = arith.constant 8 : i32
      %swap3A_106 = arith.index_cast %swap3A_105 : i32 to index
      %swap3A_107 = arith.index_cast %mul3A_104 : i32 to index
      %swap3A_108 = tpu.vector_load %arg5[%swap3A_106, %swap3A_107] {strides = array<i32>} : memref<64x512xf32, #tpu.memory_space<vmem>>, vector<16xf32>,
      tpu.vector_store %arg5[%swap3A_106, %swap3A_107], %gather3A_102 {strides = array<i32>} : memref<64x512xf32, #tpu.memory_space<vmem>>, vector<16xf32>,
      %broadcast_in_dim3A_109 = arith.constant 9 : i32
      %broadcast_in_dim3A_110 = vector.broadcast %broadcast_in_dim3A_109 : i32 to vector<16xi32>
      %gather3A_111 = tpu.vector_load_idx %arg4[%add3A_29, %broadcast_in_dim3A_110] : memref<512x64xf32, #tpu.memory_space<vmem>>[vector<16xi32>, vector<16xi32>], vector<16xf32>,
      %mul3A_112 = arith.constant 16 : i32
      %mul3A_113 = arith.muli %scan3A_23, %mul3A_112 : i32
      %swap3A_114 = arith.constant 9 : i32
      %swap3A_115 = arith.index_cast %swap3A_114 : i32 to index
      %swap3A_116 = arith.index_cast %mul3A_113 : i32 to index
      %swap3A_117 = tpu.vector_load %arg5[%swap3A_115, %swap3A_116] {strides = array<i32>} : memref<64x512xf32, #tpu.memory_space<vmem>>, vector<16xf32>,
      tpu.vector_store %arg5[%swap3A_115, %swap3A_116], %gather3A_111 {strides = array<i32>} : memref<64x512xf32, #tpu.memory_space<vmem>>, vector<16xf32>,
      %broadcast_in_dim3A_118 = arith.constant 10 : i32
      %broadcast_in_dim3A_119 = vector.broadcast %broadcast_in_dim3A_118 : i32 to vector<16xi32>
      %gather3A_120 = tpu.vector_load_idx %arg4[%add3A_29, %broadcast_in_dim3A_119] : memref<512x64xf32, #tpu.memory_space<vmem>>[vector<16xi32>, vector<16xi32>], vector<16xf32>,
      %mul3A_121 = arith.constant 16 : i32
      %mul3A_122 = arith.muli %scan3A_23, %mul3A_121 : i32
      %swap3A_123 = arith.constant 10 : i32
      %swap3A_124 = arith.index_cast %swap3A_123 : i32 to index
      %swap3A_125 = arith.index_cast %mul3A_122 : i32 to index
      %swap3A_126 = tpu.vector_load %arg5[%swap3A_124, %swap3A_125] {strides = array<i32>} : memref<64x512xf32, #tpu.memory_space<vmem>>, vector<16xf32>,
      tpu.vector_store %arg5[%swap3A_124, %swap3A_125], %gather3A_120 {strides = array<i32>} : memref<64x512xf32, #tpu.memory_space<vmem>>, vector<16xf32>,
      %broadcast_in_dim3A_127 = arith.constant 11 : i32
      %broadcast_in_dim3A_128 = vector.broadcast %broadcast_in_dim3A_127 : i32 to vector<16xi32>
      %gather3A_129 = tpu.vector_load_idx %arg4[%add3A_29, %broadcast_in_dim3A_128] : memref<512x64xf32, #tpu.memory_space<vmem>>[vector<16xi32>, vector<16xi32>], vector<16xf32>,
      %mul3A_130 = arith.constant 16 : i32
      %mul3A_131 = arith.muli %scan3A_23, %mul3A_130 : i32
      %swap3A_132 = arith.constant 11 : i32
      %swap3A_133 = arith.index_cast %swap3A_132 : i32 to index
      %swap3A_134 = arith.index_cast %mul3A_131 : i32 to index
      %swap3A_135 = tpu.vector_load %arg5[%swap3A_133, %swap3A_134] {strides = array<i32>} : memref<64x512xf32, #tpu.memory_space<vmem>>, vector<16xf32>,
      tpu.vector_store %arg5[%swap3A_133, %swap3A_134], %gather3A_129 {strides = array<i32>} : memref<64x512xf32, #tpu.memory_space<vmem>>, vector<16xf32>,
      %broadcast_in_dim3A_136 = arith.constant 12 : i32
      %broadcast_in_dim3A_137 = vector.broadcast %broadcast_in_dim3A_136 : i32 to vector<16xi32>
      %gather3A_138 = tpu.vector_load_idx %arg4[%add3A_29, %broadcast_in_dim3A_137] : memref<512x64xf32, #tpu.memory_space<vmem>>[vector<16xi32>, vector<16xi32>], vector<16xf32>,
      %mul3A_139 = arith.constant 16 : i32
      %mul3A_140 = arith.muli %scan3A_23, %mul3A_139 : i32
      %swap3A_141 = arith.constant 12 : i32
      %swap3A_142 = arith.index_cast %swap3A_141 : i32 to index
      %swap3A_143 = arith.index_cast %mul3A_140 : i32 to index
      %swap3A_144 = tpu.vector_load %arg5[%swap3A_142, %swap3A_143] {strides = array<i32>} : memref<64x512xf32, #tpu.memory_space<vmem>>, vector<16xf32>,
      tpu.vector_store %arg5[%swap3A_142, %swap3A_143], %gather3A_138 {strides = array<i32>} : memref<64x512xf32, #tpu.memory_space<vmem>>, vector<16xf32>,
      %broadcast_in_dim3A_145 = arith.constant 13 : i32
      %broadcast_in_dim3A_146 = vector.broadcast %broadcast_in_dim3A_145 : i32 to vector<16xi32>
      %gather3A_147 = tpu.vector_load_idx %arg4[%add3A_29, %broadcast_in_dim3A_146] : memref<512x64xf32, #tpu.memory_space<vmem>>[vector<16xi32>, vector<16xi32>], vector<16xf32>,
      %mul3A_148 = arith.constant 16 : i32
      %mul3A_149 = arith.muli %scan3A_23, %mul3A_148 : i32
      %swap3A_150 = arith.constant 13 : i32
      %swap3A_151 = arith.index_cast %swap3A_150 : i32 to index
      %swap3A_152 = arith.index_cast %mul3A_149 : i32 to index
      %swap3A_153 = tpu.vector_load %arg5[%swap3A_151, %swap3A_152] {strides = array<i32>} : memref<64x512xf32, #tpu.memory_space<vmem>>, vector<16xf32>,
      tpu.vector_store %arg5[%swap3A_151, %swap3A_152], %gather3A_147 {strides = array<i32>} : memref<64x512xf32, #tpu.memory_space<vmem>>, vector<16xf32>,
      %broadcast_in_dim3A_154 = arith.constant 14 : i32
      %broadcast_in_dim3A_155 = vector.broadcast %broadcast_in_dim3A_154 : i32 to vector<16xi32>
      %gather3A_156 = tpu.vector_load_idx %arg4[%add3A_29, %broadcast_in_dim3A_155] : memref<512x64xf32, #tpu.memory_space<vmem>>[vector<16xi32>, vector<16xi32>], vector<16xf32>,
      %mul3A_157 = arith.constant 16 : i32
      %mul3A_158 = arith.muli %scan3A_23, %mul3A_157 : i32
      %swap3A_159 = arith.constant 14 : i32
      %swap3A_160 = arith.index_cast %swap3A_159 : i32 to index
      %swap3A_161 = arith.index_cast %mul3A_158 : i32 to index
      %swap3A_162 = tpu.vector_load %arg5[%swap3A_160, %swap3A_161] {strides = array<i32>} : memref<64x512xf32, #tpu.memory_space<vmem>>, vector<16xf32>,
      tpu.vector_store %arg5[%swap3A_160, %swap3A_161], %gather3A_156 {strides = array<i32>} : memref<64x512xf32, #tpu.memory_space<vmem>>, vector<16xf32>,
      %broadcast_in_dim3A_163 = arith.constant 15 : i32
      %broadcast_in_dim3A_164 = vector.broadcast %broadcast_in_dim3A_163 : i32 to vector<16xi32>
      %gather3A_165 = tpu.vector_load_idx %arg4[%add3A_29, %broadcast_in_dim3A_164] : memref<512x64xf32, #tpu.memory_space<vmem>>[vector<16xi32>, vector<16xi32>], vector<16xf32>,
      %mul3A_166 = arith.constant 16 : i32
      %mul3A_167 = arith.muli %scan3A_23, %mul3A_166 : i32
      %swap3A_168 = arith.constant 15 : i32
      %swap3A_169 = arith.index_cast %swap3A_168 : i32 to index
      %swap3A_170 = arith.index_cast %mul3A_167 : i32 to index
      %swap3A_171 = tpu.vector_load %arg5[%swap3A_169, %swap3A_170] {strides = array<i32>} : memref<64x512xf32, #tpu.memory_space<vmem>>, vector<16xf32>,
      tpu.vector_store %arg5[%swap3A_169, %swap3A_170], %gather3A_165 {strides = array<i32>} : memref<64x512xf32, #tpu.memory_space<vmem>>, vector<16xf32>,
      %broadcast_in_dim3A_172 = arith.constant 16 : i32
      %broadcast_in_dim3A_173 = vector.broadcast %broadcast_in_dim3A_172 : i32 to vector<16xi32>
      %gather3A_174 = tpu.vector_load_idx %arg4[%add3A_29, %broadcast_in_dim3A_173] : memref<512x64xf32, #tpu.memory_space<vmem>>[vector<16xi32>, vector<16xi32>], vector<16xf32>,
      %mul3A_175 = arith.constant 16 : i32
      %mul3A_176 = arith.muli %scan3A_23, %mul3A_175 : i32
      %swap3A_177 = arith.constant 16 : i32
      %swap3A_178 = arith.index_cast %swap3A_177 : i32 to index
      %swap3A_179 = arith.index_cast %mul3A_176 : i32 to index
      %swap3A_180 = tpu.vector_load %arg5[%swap3A_178, %swap3A_179] {strides = array<i32>} : memref<64x512xf32, #tpu.memory_space<vmem>>, vector<16xf32>,
      tpu.vector_store %arg5[%swap3A_178, %swap3A_179], %gather3A_174 {strides = array<i32>} : memref<64x512xf32, #tpu.memory_space<vmem>>, vector<16xf32>,
      %broadcast_in_dim3A_181 = arith.constant 17 : i32
      %broadcast_in_dim3A_182 = vector.broadcast %broadcast_in_dim3A_181 : i32 to vector<16xi32>
      %gather3A_183 = tpu.vector_load_idx %arg4[%add3A_29, %broadcast_in_dim3A_182] : memref<512x64xf32, #tpu.memory_space<vmem>>[vector<16xi32>, vector<16xi32>], vector<16xf32>,
      %mul3A_184 = arith.constant 16 : i32
      %mul3A_185 = arith.muli %scan3A_23, %mul3A_184 : i32
      %swap3A_186 = arith.constant 17 : i32
      %swap3A_187 = arith.index_cast %swap3A_186 : i32 to index
      %swap3A_188 = arith.index_cast %mul3A_185 : i32 to index
      %swap3A_189 = tpu.vector_load %arg5[%swap3A_187, %swap3A_188] {strides = array<i32>} : memref<64x512xf32, #tpu.memory_space<vmem>>, vector<16xf32>,
      tpu.vector_store %arg5[%swap3A_187, %swap3A_188], %gather3A_183 {strides = array<i32>} : memref<64x512xf32, #tpu.memory_space<vmem>>, vector<16xf32>,
      %broadcast_in_dim3A_190 = arith.constant 18 : i32
      %broadcast_in_dim3A_191 = vector.broadcast %broadcast_in_dim3A_190 : i32 to vector<16xi32>
      %gather3A_192 = tpu.vector_load_idx %arg4[%add3A_29, %broadcast_in_dim3A_191] : memref<512x64xf32, #tpu.memory_space<vmem>>[vector<16xi32>, vector<16xi32>], vector<16xf32>,
      %mul3A_193 = arith.constant 16 : i32
      %mul3A_194 = arith.muli %scan3A_23, %mul3A_193 : i32
      %swap3A_195 = arith.constant 18 : i32
      %swap3A_196 = arith.index_cast %swap3A_195 : i32 to index
      %swap3A_197 = arith.index_cast %mul3A_194 : i32 to index
      %swap3A_198 = tpu.vector_load %arg5[%swap3A_196, %swap3A_197] {strides = array<i32>} : memref<64x512xf32, #tpu.memory_space<vmem>>, vector<16xf32>,
      tpu.vector_store %arg5[%swap3A_196, %swap3A_197], %gather3A_192 {strides = array<i32>} : memref<64x512xf32, #tpu.memory_space<vmem>>, vector<16xf32>,
      %broadcast_in_dim3A_199 = arith.constant 19 : i32
      %broadcast_in_dim3A_200 = vector.broadcast %broadcast_in_dim3A_199 : i32 to vector<16xi32>
      %gather3A_201 = tpu.vector_load_idx %arg4[%add3A_29, %broadcast_in_dim3A_200] : memref<512x64xf32, #tpu.memory_space<vmem>>[vector<16xi32>, vector<16xi32>], vector<16xf32>,
      %mul3A_202 = arith.constant 16 : i32
      %mul3A_203 = arith.muli %scan3A_23, %mul3A_202 : i32
      %swap3A_204 = arith.constant 19 : i32
      %swap3A_205 = arith.index_cast %swap3A_204 : i32 to index
      %swap3A_206 = arith.index_cast %mul3A_203 : i32 to index
      %swap3A_207 = tpu.vector_load %arg5[%swap3A_205, %swap3A_206] {strides = array<i32>} : memref<64x512xf32, #tpu.memory_space<vmem>>, vector<16xf32>,
      tpu.vector_store %arg5[%swap3A_205, %swap3A_206], %gather3A_201 {strides = array<i32>} : memref<64x512xf32, #tpu.memory_space<vmem>>, vector<16xf32>,
      %broadcast_in_dim3A_208 = arith.constant 20 : i32
      %broadcast_in_dim3A_209 = vector.broadcast %broadcast_in_dim3A_208 : i32 to vector<16xi32>
      %gather3A_210 = tpu.vector_load_idx %arg4[%add3A_29, %broadcast_in_dim3A_209] : memref<512x64xf32, #tpu.memory_space<vmem>>[vector<16xi32>, vector<16xi32>], vector<16xf32>,
      %mul3A_211 = arith.constant 16 : i32
      %mul3A_212 = arith.muli %scan3A_23, %mul3A_211 : i32
      %swap3A_213 = arith.constant 20 : i32
      %swap3A_214 = arith.index_cast %swap3A_213 : i32 to index
      %swap3A_215 = arith.index_cast %mul3A_212 : i32 to index
      %swap3A_216 = tpu.vector_load %arg5[%swap3A_214, %swap3A_215] {strides = array<i32>} : memref<64x512xf32, #tpu.memory_space<vmem>>, vector<16xf32>,
      tpu.vector_store %arg5[%swap3A_214, %swap3A_215], %gather3A_210 {strides = array<i32>} : memref<64x512xf32, #tpu.memory_space<vmem>>, vector<16xf32>,
      %broadcast_in_dim3A_217 = arith.constant 21 : i32
      %broadcast_in_dim3A_218 = vector.broadcast %broadcast_in_dim3A_217 : i32 to vector<16xi32>
      %gather3A_219 = tpu.vector_load_idx %arg4[%add3A_29, %broadcast_in_dim3A_218] : memref<512x64xf32, #tpu.memory_space<vmem>>[vector<16xi32>, vector<16xi32>], vector<16xf32>,
      %mul3A_220 = arith.constant 16 : i32
      %mul3A_221 = arith.muli %scan3A_23, %mul3A_220 : i32
      %swap3A_222 = arith.constant 21 : i32
      %swap3A_223 = arith.index_cast %swap3A_222 : i32 to index
      %swap3A_224 = arith.index_cast %mul3A_221 : i32 to index
      %swap3A_225 = tpu.vector_load %arg5[%swap3A_223, %swap3A_224] {strides = array<i32>} : memref<64x512xf32, #tpu.memory_space<vmem>>, vector<16xf32>,
      tpu.vector_store %arg5[%swap3A_223, %swap3A_224], %gather3A_219 {strides = array<i32>} : memref<64x512xf32, #tpu.memory_space<vmem>>, vector<16xf32>,
      %broadcast_in_dim3A_226 = arith.constant 22 : i32
      %broadcast_in_dim3A_227 = vector.broadcast %broadcast_in_dim3A_226 : i32 to vector<16xi32>
      %gather3A_228 = tpu.vector_load_idx %arg4[%add3A_29, %broadcast_in_dim3A_227] : memref<512x64xf32, #tpu.memory_space<vmem>>[vector<16xi32>, vector<16xi32>], vector<16xf32>,
      %mul3A_229 = arith.constant 16 : i32
      %mul3A_230 = arith.muli %scan3A_23, %mul3A_229 : i32
      %swap3A_231 = arith.constant 22 : i32
      %swap3A_232 = arith.index_cast %swap3A_231 : i32 to index
      %swap3A_233 = arith.index_cast %mul3A_230 : i32 to index
      %swap3A_234 = tpu.vector_load %arg5[%swap3A_232, %swap3A_233] {strides = array<i32>} : memref<64x512xf32, #tpu.memory_space<vmem>>, vector<16xf32>,
      tpu.vector_store %arg5[%swap3A_232, %swap3A_233], %gather3A_228 {strides = array<i32>} : memref<64x512xf32, #tpu.memory_space<vmem>>, vector<16xf32>,
      %broadcast_in_dim3A_235 = arith.constant 23 : i32
      %broadcast_in_dim3A_236 = vector.broadcast %broadcast_in_dim3A_235 : i32 to vector<16xi32>
      %gather3A_237 = tpu.vector_load_idx %arg4[%add3A_29, %broadcast_in_dim3A_236] : memref<512x64xf32, #tpu.memory_space<vmem>>[vector<16xi32>, vector<16xi32>], vector<16xf32>,
      %mul3A_238 = arith.constant 16 : i32
      %mul3A_239 = arith.muli %scan3A_23, %mul3A_238 : i32
      %swap3A_240 = arith.constant 23 : i32
      %swap3A_241 = arith.index_cast %swap3A_240 : i32 to index
      %swap3A_242 = arith.index_cast %mul3A_239 : i32 to index
      %swap3A_243 = tpu.vector_load %arg5[%swap3A_241, %swap3A_242] {strides = array<i32>} : memref<64x512xf32, #tpu.memory_space<vmem>>, vector<16xf32>,
      tpu.vector_store %arg5[%swap3A_241, %swap3A_242], %gather3A_237 {strides = array<i32>} : memref<64x512xf32, #tpu.memory_space<vmem>>, vector<16xf32>,
      %broadcast_in_dim3A_244 = arith.constant 24 : i32
      %broadcast_in_dim3A_245 = vector.broadcast %broadcast_in_dim3A_244 : i32 to vector<16xi32>
      %gather3A_246 = tpu.vector_load_idx %arg4[%add3A_29, %broadcast_in_dim3A_245] : memref<512x64xf32, #tpu.memory_space<vmem>>[vector<16xi32>, vector<16xi32>], vector<16xf32>,
      %mul3A_247 = arith.constant 16 : i32
      %mul3A_248 = arith.muli %scan3A_23, %mul3A_247 : i32
      %swap3A_249 = arith.constant 24 : i32
      %swap3A_250 = arith.index_cast %swap3A_249 : i32 to index
      %swap3A_251 = arith.index_cast %mul3A_248 : i32 to index
      %swap3A_252 = tpu.vector_load %arg5[%swap3A_250, %swap3A_251] {strides = array<i32>} : memref<64x512xf32, #tpu.memory_space<vmem>>, vector<16xf32>,
      tpu.vector_store %arg5[%swap3A_250, %swap3A_251], %gather3A_246 {strides = array<i32>} : memref<64x512xf32, #tpu.memory_space<vmem>>, vector<16xf32>,
      %broadcast_in_dim3A_253 = arith.constant 25 : i32
      %broadcast_in_dim3A_254 = vector.broadcast %broadcast_in_dim3A_253 : i32 to vector<16xi32>
      %gather3A_255 = tpu.vector_load_idx %arg4[%add3A_29, %broadcast_in_dim3A_254] : memref<512x64xf32, #tpu.memory_space<vmem>>[vector<16xi32>, vector<16xi32>], vector<16xf32>,
      %mul3A_256 = arith.constant 16 : i32
      %mul3A_257 = arith.muli %scan3A_23, %mul3A_256 : i32
      %swap3A_258 = arith.constant 25 : i32
      %swap3A_259 = arith.index_cast %swap3A_258 : i32 to index
      %swap3A_260 = arith.index_cast %mul3A_257 : i32 to index
      %swap3A_261 = tpu.vector_load %arg5[%swap3A_259, %swap3A_260] {strides = array<i32>} : memref<64x512xf32, #tpu.memory_space<vmem>>, vector<16xf32>,
      tpu.vector_store %arg5[%swap3A_259, %swap3A_260], %gather3A_255 {strides = array<i32>} : memref<64x512xf32, #tpu.memory_space<vmem>>, vector<16xf32>,
      %broadcast_in_dim3A_262 = arith.constant 26 : i32
      %broadcast_in_dim3A_263 = vector.broadcast %broadcast_in_dim3A_262 : i32 to vector<16xi32>
      %gather3A_264 = tpu.vector_load_idx %arg4[%add3A_29, %broadcast_in_dim3A_263] : memref<512x64xf32, #tpu.memory_space<vmem>>[vector<16xi32>, vector<16xi32>], vector<16xf32>,
      %mul3A_265 = arith.constant 16 : i32
      %mul3A_266 = arith.muli %scan3A_23, %mul3A_265 : i32
      %swap3A_267 = arith.constant 26 : i32
      %swap3A_268 = arith.index_cast %swap3A_267 : i32 to index
      %swap3A_269 = arith.index_cast %mul3A_266 : i32 to index
      %swap3A_270 = tpu.vector_load %arg5[%swap3A_268, %swap3A_269] {strides = array<i32>} : memref<64x512xf32, #tpu.memory_space<vmem>>, vector<16xf32>,
      tpu.vector_store %arg5[%swap3A_268, %swap3A_269], %gather3A_264 {strides = array<i32>} : memref<64x512xf32, #tpu.memory_space<vmem>>, vector<16xf32>,
      %broadcast_in_dim3A_271 = arith.constant 27 : i32
      %broadcast_in_dim3A_272 = vector.broadcast %broadcast_in_dim3A_271 : i32 to vector<16xi32>
      %gather3A_273 = tpu.vector_load_idx %arg4[%add3A_29, %broadcast_in_dim3A_272] : memref<512x64xf32, #tpu.memory_space<vmem>>[vector<16xi32>, vector<16xi32>], vector<16xf32>,
      %mul3A_274 = arith.constant 16 : i32
      %mul3A_275 = arith.muli %scan3A_23, %mul3A_274 : i32
      %swap3A_276 = arith.constant 27 : i32
      %swap3A_277 = arith.index_cast %swap3A_276 : i32 to index
      %swap3A_278 = arith.index_cast %mul3A_275 : i32 to index
      %swap3A_279 = tpu.vector_load %arg5[%swap3A_277, %swap3A_278] {strides = array<i32>} : memref<64x512xf32, #tpu.memory_space<vmem>>, vector<16xf32>,
      tpu.vector_store %arg5[%swap3A_277, %swap3A_278], %gather3A_273 {strides = array<i32>} : memref<64x512xf32, #tpu.memory_space<vmem>>, vector<16xf32>,
      %broadcast_in_dim3A_280 = arith.constant 28 : i32
      %broadcast_in_dim3A_281 = vector.broadcast %broadcast_in_dim3A_280 : i32 to vector<16xi32>
      %gather3A_282 = tpu.vector_load_idx %arg4[%add3A_29, %broadcast_in_dim3A_281] : memref<512x64xf32, #tpu.memory_space<vmem>>[vector<16xi32>, vector<16xi32>], vector<16xf32>,
      %mul3A_283 = arith.constant 16 : i32
      %mul3A_284 = arith.muli %scan3A_23, %mul3A_283 : i32
      %swap3A_285 = arith.constant 28 : i32
      %swap3A_286 = arith.index_cast %swap3A_285 : i32 to index
      %swap3A_287 = arith.index_cast %mul3A_284 : i32 to index
      %swap3A_288 = tpu.vector_load %arg5[%swap3A_286, %swap3A_287] {strides = array<i32>} : memref<64x512xf32, #tpu.memory_space<vmem>>, vector<16xf32>,
      tpu.vector_store %arg5[%swap3A_286, %swap3A_287], %gather3A_282 {strides = array<i32>} : memref<64x512xf32, #tpu.memory_space<vmem>>, vector<16xf32>,
      %broadcast_in_dim3A_289 = arith.constant 29 : i32
      %broadcast_in_dim3A_290 = vector.broadcast %broadcast_in_dim3A_289 : i32 to vector<16xi32>
      %gather3A_291 = tpu.vector_load_idx %arg4[%add3A_29, %broadcast_in_dim3A_290] : memref<512x64xf32, #tpu.memory_space<vmem>>[vector<16xi32>, vector<16xi32>], vector<16xf32>,
      %mul3A_292 = arith.constant 16 : i32
      %mul3A_293 = arith.muli %scan3A_23, %mul3A_292 : i32
      %swap3A_294 = arith.constant 29 : i32
      %swap3A_295 = arith.index_cast %swap3A_294 : i32 to index
      %swap3A_296 = arith.index_cast %mul3A_293 : i32 to index
      %swap3A_297 = tpu.vector_load %arg5[%swap3A_295, %swap3A_296] {strides = array<i32>} : memref<64x512xf32, #tpu.memory_space<vmem>>, vector<16xf32>,
      tpu.vector_store %arg5[%swap3A_295, %swap3A_296], %gather3A_291 {strides = array<i32>} : memref<64x512xf32, #tpu.memory_space<vmem>>, vector<16xf32>,
      %broadcast_in_dim3A_298 = arith.constant 30 : i32
      %broadcast_in_dim3A_299 = vector.broadcast %broadcast_in_dim3A_298 : i32 to vector<16xi32>
      %gather3A_300 = tpu.vector_load_idx %arg4[%add3A_29, %broadcast_in_dim3A_299] : memref<512x64xf32, #tpu.memory_space<vmem>>[vector<16xi32>, vector<16xi32>], vector<16xf32>,
      %mul3A_301 = arith.constant 16 : i32
      %mul3A_302 = arith.muli %scan3A_23, %mul3A_301 : i32
      %swap3A_303 = arith.constant 30 : i32
      %swap3A_304 = arith.index_cast %swap3A_303 : i32 to index
      %swap3A_305 = arith.index_cast %mul3A_302 : i32 to index
      %swap3A_306 = tpu.vector_load %arg5[%swap3A_304, %swap3A_305] {strides = array<i32>} : memref<64x512xf32, #tpu.memory_space<vmem>>, vector<16xf32>,
      tpu.vector_store %arg5[%swap3A_304, %swap3A_305], %gather3A_300 {strides = array<i32>} : memref<64x512xf32, #tpu.memory_space<vmem>>, vector<16xf32>,
      %broadcast_in_dim3A_307 = arith.constant 31 : i32
      %broadcast_in_dim3A_308 = vector.broadcast %broadcast_in_dim3A_307 : i32 to vector<16xi32>
      %gather3A_309 = tpu.vector_load_idx %arg4[%add3A_29, %broadcast_in_dim3A_308] : memref<512x64xf32, #tpu.memory_space<vmem>>[vector<16xi32>, vector<16xi32>], vector<16xf32>,
      %mul3A_310 = arith.constant 16 : i32
      %mul3A_311 = arith.muli %scan3A_23, %mul3A_310 : i32
      %swap3A_312 = arith.constant 31 : i32
      %swap3A_313 = arith.index_cast %swap3A_312 : i32 to index
      %swap3A_314 = arith.index_cast %mul3A_311 : i32 to index
      %swap3A_315 = tpu.vector_load %arg5[%swap3A_313, %swap3A_314] {strides = array<i32>} : memref<64x512xf32, #tpu.memory_space<vmem>>, vector<16xf32>,
      tpu.vector_store %arg5[%swap3A_313, %swap3A_314], %gather3A_309 {strides = array<i32>} : memref<64x512xf32, #tpu.memory_space<vmem>>, vector<16xf32>,
      %broadcast_in_dim3A_316 = arith.constant 32 : i32
      %broadcast_in_dim3A_317 = vector.broadcast %broadcast_in_dim3A_316 : i32 to vector<16xi32>
      %gather3A_318 = tpu.vector_load_idx %arg4[%add3A_29, %broadcast_in_dim3A_317] : memref<512x64xf32, #tpu.memory_space<vmem>>[vector<16xi32>, vector<16xi32>], vector<16xf32>,
      %mul3A_319 = arith.constant 16 : i32
      %mul3A_320 = arith.muli %scan3A_23, %mul3A_319 : i32
      %swap3A_321 = arith.constant 32 : i32
      %swap3A_322 = arith.index_cast %swap3A_321 : i32 to index
      %swap3A_323 = arith.index_cast %mul3A_320 : i32 to index
      %swap3A_324 = tpu.vector_load %arg5[%swap3A_322, %swap3A_323] {strides = array<i32>} : memref<64x512xf32, #tpu.memory_space<vmem>>, vector<16xf32>,
      tpu.vector_store %arg5[%swap3A_322, %swap3A_323], %gather3A_318 {strides = array<i32>} : memref<64x512xf32, #tpu.memory_space<vmem>>, vector<16xf32>,
      %broadcast_in_dim3A_325 = arith.constant 33 : i32
      %broadcast_in_dim3A_326 = vector.broadcast %broadcast_in_dim3A_325 : i32 to vector<16xi32>
      %gather3A_327 = tpu.vector_load_idx %arg4[%add3A_29, %broadcast_in_dim3A_326] : memref<512x64xf32, #tpu.memory_space<vmem>>[vector<16xi32>, vector<16xi32>], vector<16xf32>,
      %mul3A_328 = arith.constant 16 : i32
      %mul3A_329 = arith.muli %scan3A_23, %mul3A_328 : i32
      %swap3A_330 = arith.constant 33 : i32
      %swap3A_331 = arith.index_cast %swap3A_330 : i32 to index
      %swap3A_332 = arith.index_cast %mul3A_329 : i32 to index
      %swap3A_333 = tpu.vector_load %arg5[%swap3A_331, %swap3A_332] {strides = array<i32>} : memref<64x512xf32, #tpu.memory_space<vmem>>, vector<16xf32>,
      tpu.vector_store %arg5[%swap3A_331, %swap3A_332], %gather3A_327 {strides = array<i32>} : memref<64x512xf32, #tpu.memory_space<vmem>>, vector<16xf32>,
      %broadcast_in_dim3A_334 = arith.constant 34 : i32
      %broadcast_in_dim3A_335 = vector.broadcast %broadcast_in_dim3A_334 : i32 to vector<16xi32>
      %gather3A_336 = tpu.vector_load_idx %arg4[%add3A_29, %broadcast_in_dim3A_335] : memref<512x64xf32, #tpu.memory_space<vmem>>[vector<16xi32>, vector<16xi32>], vector<16xf32>,
      %mul3A_337 = arith.constant 16 : i32
      %mul3A_338 = arith.muli %scan3A_23, %mul3A_337 : i32
      %swap3A_339 = arith.constant 34 : i32
      %swap3A_340 = arith.index_cast %swap3A_339 : i32 to index
      %swap3A_341 = arith.index_cast %mul3A_338 : i32 to index
      %swap3A_342 = tpu.vector_load %arg5[%swap3A_340, %swap3A_341] {strides = array<i32>} : memref<64x512xf32, #tpu.memory_space<vmem>>, vector<16xf32>,
      tpu.vector_store %arg5[%swap3A_340, %swap3A_341], %gather3A_336 {strides = array<i32>} : memref<64x512xf32, #tpu.memory_space<vmem>>, vector<16xf32>,
      %broadcast_in_dim3A_343 = arith.constant 35 : i32
      %broadcast_in_dim3A_344 = vector.broadcast %broadcast_in_dim3A_343 : i32 to vector<16xi32>
      %gather3A_345 = tpu.vector_load_idx %arg4[%add3A_29, %broadcast_in_dim3A_344] : memref<512x64xf32, #tpu.memory_space<vmem>>[vector<16xi32>, vector<16xi32>], vector<16xf32>,
      %mul3A_346 = arith.constant 16 : i32
      %mul3A_347 = arith.muli %scan3A_23, %mul3A_346 : i32
      %swap3A_348 = arith.constant 35 : i32
      %swap3A_349 = arith.index_cast %swap3A_348 : i32 to index
      %swap3A_350 = arith.index_cast %mul3A_347 : i32 to index
      %swap3A_351 = tpu.vector_load %arg5[%swap3A_349, %swap3A_350] {strides = array<i32>} : memref<64x512xf32, #tpu.memory_space<vmem>>, vector<16xf32>,
      tpu.vector_store %arg5[%swap3A_349, %swap3A_350], %gather3A_345 {strides = array<i32>} : memref<64x512xf32, #tpu.memory_space<vmem>>, vector<16xf32>,
      %broadcast_in_dim3A_352 = arith.constant 36 : i32
      %broadcast_in_dim3A_353 = vector.broadcast %broadcast_in_dim3A_352 : i32 to vector<16xi32>
      %gather3A_354 = tpu.vector_load_idx %arg4[%add3A_29, %broadcast_in_dim3A_353] : memref<512x64xf32, #tpu.memory_space<vmem>>[vector<16xi32>, vector<16xi32>], vector<16xf32>,
      %mul3A_355 = arith.constant 16 : i32
      %mul3A_356 = arith.muli %scan3A_23, %mul3A_355 : i32
      %swap3A_357 = arith.constant 36 : i32
      %swap3A_358 = arith.index_cast %swap3A_357 : i32 to index
      %swap3A_359 = arith.index_cast %mul3A_356 : i32 to index
      %swap3A_360 = tpu.vector_load %arg5[%swap3A_358, %swap3A_359] {strides = array<i32>} : memref<64x512xf32, #tpu.memory_space<vmem>>, vector<16xf32>,
      tpu.vector_store %arg5[%swap3A_358, %swap3A_359], %gather3A_354 {strides = array<i32>} : memref<64x512xf32, #tpu.memory_space<vmem>>, vector<16xf32>,
      %broadcast_in_dim3A_361 = arith.constant 37 : i32
      %broadcast_in_dim3A_362 = vector.broadcast %broadcast_in_dim3A_361 : i32 to vector<16xi32>
      %gather3A_363 = tpu.vector_load_idx %arg4[%add3A_29, %broadcast_in_dim3A_362] : memref<512x64xf32, #tpu.memory_space<vmem>>[vector<16xi32>, vector<16xi32>], vector<16xf32>,
      %mul3A_364 = arith.constant 16 : i32
      %mul3A_365 = arith.muli %scan3A_23, %mul3A_364 : i32
      %swap3A_366 = arith.constant 37 : i32
      %swap3A_367 = arith.index_cast %swap3A_366 : i32 to index
      %swap3A_368 = arith.index_cast %mul3A_365 : i32 to index
      %swap3A_369 = tpu.vector_load %arg5[%swap3A_367, %swap3A_368] {strides = array<i32>} : memref<64x512xf32, #tpu.memory_space<vmem>>, vector<16xf32>,
      tpu.vector_store %arg5[%swap3A_367, %swap3A_368], %gather3A_363 {strides = array<i32>} : memref<64x512xf32, #tpu.memory_space<vmem>>, vector<16xf32>,
      %broadcast_in_dim3A_370 = arith.constant 38 : i32
      %broadcast_in_dim3A_371 = vector.broadcast %broadcast_in_dim3A_370 : i32 to vector<16xi32>
      %gather3A_372 = tpu.vector_load_idx %arg4[%add3A_29, %broadcast_in_dim3A_371] : memref<512x64xf32, #tpu.memory_space<vmem>>[vector<16xi32>, vector<16xi32>], vector<16xf32>,
      %mul3A_373 = arith.constant 16 : i32
      %mul3A_374 = arith.muli %scan3A_23, %mul3A_373 : i32
      %swap3A_375 = arith.constant 38 : i32
      %swap3A_376 = arith.index_cast %swap3A_375 : i32 to index
      %swap3A_377 = arith.index_cast %mul3A_374 : i32 to index
      %swap3A_378 = tpu.vector_load %arg5[%swap3A_376, %swap3A_377] {strides = array<i32>} : memref<64x512xf32, #tpu.memory_space<vmem>>, vector<16xf32>,
      tpu.vector_store %arg5[%swap3A_376, %swap3A_377], %gather3A_372 {strides = array<i32>} : memref<64x512xf32, #tpu.memory_space<vmem>>, vector<16xf32>,
      %broadcast_in_dim3A_379 = arith.constant 39 : i32
      %broadcast_in_dim3A_380 = vector.broadcast %broadcast_in_dim3A_379 : i32 to vector<16xi32>
      %gather3A_381 = tpu.vector_load_idx %arg4[%add3A_29, %broadcast_in_dim3A_380] : memref<512x64xf32, #tpu.memory_space<vmem>>[vector<16xi32>, vector<16xi32>], vector<16xf32>,
      %mul3A_382 = arith.constant 16 : i32
      %mul3A_383 = arith.muli %scan3A_23, %mul3A_382 : i32
      %swap3A_384 = arith.constant 39 : i32
      %swap3A_385 = arith.index_cast %swap3A_384 : i32 to index
      %swap3A_386 = arith.index_cast %mul3A_383 : i32 to index
      %swap3A_387 = tpu.vector_load %arg5[%swap3A_385, %swap3A_386] {strides = array<i32>} : memref<64x512xf32, #tpu.memory_space<vmem>>, vector<16xf32>,
      tpu.vector_store %arg5[%swap3A_385, %swap3A_386], %gather3A_381 {strides = array<i32>} : memref<64x512xf32, #tpu.memory_space<vmem>>, vector<16xf32>,
      %broadcast_in_dim3A_388 = arith.constant 40 : i32
      %broadcast_in_dim3A_389 = vector.broadcast %broadcast_in_dim3A_388 : i32 to vector<16xi32>
      %gather3A_390 = tpu.vector_load_idx %arg4[%add3A_29, %broadcast_in_dim3A_389] : memref<512x64xf32, #tpu.memory_space<vmem>>[vector<16xi32>, vector<16xi32>], vector<16xf32>,
      %mul3A_391 = arith.constant 16 : i32
      %mul3A_392 = arith.muli %scan3A_23, %mul3A_391 : i32
      %swap3A_393 = arith.constant 40 : i32
      %swap3A_394 = arith.index_cast %swap3A_393 : i32 to index
      %swap3A_395 = arith.index_cast %mul3A_392 : i32 to index
      %swap3A_396 = tpu.vector_load %arg5[%swap3A_394, %swap3A_395] {strides = array<i32>} : memref<64x512xf32, #tpu.memory_space<vmem>>, vector<16xf32>,
      tpu.vector_store %arg5[%swap3A_394, %swap3A_395], %gather3A_390 {strides = array<i32>} : memref<64x512xf32, #tpu.memory_space<vmem>>, vector<16xf32>,
      %broadcast_in_dim3A_397 = arith.constant 41 : i32
      %broadcast_in_dim3A_398 = vector.broadcast %broadcast_in_dim3A_397 : i32 to vector<16xi32>
      %gather3A_399 = tpu.vector_load_idx %arg4[%add3A_29, %broadcast_in_dim3A_398] : memref<512x64xf32, #tpu.memory_space<vmem>>[vector<16xi32>, vector<16xi32>], vector<16xf32>,
      %mul3A_400 = arith.constant 16 : i32
      %mul3A_401 = arith.muli %scan3A_23, %mul3A_400 : i32
      %swap3A_402 = arith.constant 41 : i32
      %swap3A_403 = arith.index_cast %swap3A_402 : i32 to index
      %swap3A_404 = arith.index_cast %mul3A_401 : i32 to index
      %swap3A_405 = tpu.vector_load %arg5[%swap3A_403, %swap3A_404] {strides = array<i32>} : memref<64x512xf32, #tpu.memory_space<vmem>>, vector<16xf32>,
      tpu.vector_store %arg5[%swap3A_403, %swap3A_404], %gather3A_399 {strides = array<i32>} : memref<64x512xf32, #tpu.memory_space<vmem>>, vector<16xf32>,
      %broadcast_in_dim3A_406 = arith.constant 42 : i32
      %broadcast_in_dim3A_407 = vector.broadcast %broadcast_in_dim3A_406 : i32 to vector<16xi32>
      %gather3A_408 = tpu.vector_load_idx %arg4[%add3A_29, %broadcast_in_dim3A_407] : memref<512x64xf32, #tpu.memory_space<vmem>>[vector<16xi32>, vector<16xi32>], vector<16xf32>,
      %mul3A_409 = arith.constant 16 : i32
      %mul3A_410 = arith.muli %scan3A_23, %mul3A_409 : i32
      %swap3A_411 = arith.constant 42 : i32
      %swap3A_412 = arith.index_cast %swap3A_411 : i32 to index
      %swap3A_413 = arith.index_cast %mul3A_410 : i32 to index
      %swap3A_414 = tpu.vector_load %arg5[%swap3A_412, %swap3A_413] {strides = array<i32>} : memref<64x512xf32, #tpu.memory_space<vmem>>, vector<16xf32>,
      tpu.vector_store %arg5[%swap3A_412, %swap3A_413], %gather3A_408 {strides = array<i32>} : memref<64x512xf32, #tpu.memory_space<vmem>>, vector<16xf32>,
      %broadcast_in_dim3A_415 = arith.constant 43 : i32
      %broadcast_in_dim3A_416 = vector.broadcast %broadcast_in_dim3A_415 : i32 to vector<16xi32>
      %gather3A_417 = tpu.vector_load_idx %arg4[%add3A_29, %broadcast_in_dim3A_416] : memref<512x64xf32, #tpu.memory_space<vmem>>[vector<16xi32>, vector<16xi32>], vector<16xf32>,
      %mul3A_418 = arith.constant 16 : i32
      %mul3A_419 = arith.muli %scan3A_23, %mul3A_418 : i32
      %swap3A_420 = arith.constant 43 : i32
      %swap3A_421 = arith.index_cast %swap3A_420 : i32 to index
      %swap3A_422 = arith.index_cast %mul3A_419 : i32 to index
      %swap3A_423 = tpu.vector_load %arg5[%swap3A_421, %swap3A_422] {strides = array<i32>} : memref<64x512xf32, #tpu.memory_space<vmem>>, vector<16xf32>,
      tpu.vector_store %arg5[%swap3A_421, %swap3A_422], %gather3A_417 {strides = array<i32>} : memref<64x512xf32, #tpu.memory_space<vmem>>, vector<16xf32>,
      %broadcast_in_dim3A_424 = arith.constant 44 : i32
      %broadcast_in_dim3A_425 = vector.broadcast %broadcast_in_dim3A_424 : i32 to vector<16xi32>
      %gather3A_426 = tpu.vector_load_idx %arg4[%add3A_29, %broadcast_in_dim3A_425] : memref<512x64xf32, #tpu.memory_space<vmem>>[vector<16xi32>, vector<16xi32>], vector<16xf32>,
      %mul3A_427 = arith.constant 16 : i32
      %mul3A_428 = arith.muli %scan3A_23, %mul3A_427 : i32
      %swap3A_429 = arith.constant 44 : i32
      %swap3A_430 = arith.index_cast %swap3A_429 : i32 to index
      %swap3A_431 = arith.index_cast %mul3A_428 : i32 to index
      %swap3A_432 = tpu.vector_load %arg5[%swap3A_430, %swap3A_431] {strides = array<i32>} : memref<64x512xf32, #tpu.memory_space<vmem>>, vector<16xf32>,
      tpu.vector_store %arg5[%swap3A_430, %swap3A_431], %gather3A_426 {strides = array<i32>} : memref<64x512xf32, #tpu.memory_space<vmem>>, vector<16xf32>,
      %broadcast_in_dim3A_433 = arith.constant 45 : i32
      %broadcast_in_dim3A_434 = vector.broadcast %broadcast_in_dim3A_433 : i32 to vector<16xi32>
      %gather3A_435 = tpu.vector_load_idx %arg4[%add3A_29, %broadcast_in_dim3A_434] : memref<512x64xf32, #tpu.memory_space<vmem>>[vector<16xi32>, vector<16xi32>], vector<16xf32>,
      %mul3A_436 = arith.constant 16 : i32
      %mul3A_437 = arith.muli %scan3A_23, %mul3A_436 : i32
      %swap3A_438 = arith.constant 45 : i32
      %swap3A_439 = arith.index_cast %swap3A_438 : i32 to index
      %swap3A_440 = arith.index_cast %mul3A_437 : i32 to index
      %swap3A_441 = tpu.vector_load %arg5[%swap3A_439, %swap3A_440] {strides = array<i32>} : memref<64x512xf32, #tpu.memory_space<vmem>>, vector<16xf32>,
      tpu.vector_store %arg5[%swap3A_439, %swap3A_440], %gather3A_435 {strides = array<i32>} : memref<64x512xf32, #tpu.memory_space<vmem>>, vector<16xf32>,
      %broadcast_in_dim3A_442 = arith.constant 46 : i32
      %broadcast_in_dim3A_443 = vector.broadcast %broadcast_in_dim3A_442 : i32 to vector<16xi32>
      %gather3A_444 = tpu.vector_load_idx %arg4[%add3A_29, %broadcast_in_dim3A_443] : memref<512x64xf32, #tpu.memory_space<vmem>>[vector<16xi32>, vector<16xi32>], vector<16xf32>,
      %mul3A_445 = arith.constant 16 : i32
      %mul3A_446 = arith.muli %scan3A_23, %mul3A_445 : i32
      %swap3A_447 = arith.constant 46 : i32
      %swap3A_448 = arith.index_cast %swap3A_447 : i32 to index
      %swap3A_449 = arith.index_cast %mul3A_446 : i32 to index
      %swap3A_450 = tpu.vector_load %arg5[%swap3A_448, %swap3A_449] {strides = array<i32>} : memref<64x512xf32, #tpu.memory_space<vmem>>, vector<16xf32>,
      tpu.vector_store %arg5[%swap3A_448, %swap3A_449], %gather3A_444 {strides = array<i32>} : memref<64x512xf32, #tpu.memory_space<vmem>>, vector<16xf32>,
      %broadcast_in_dim3A_451 = arith.constant 47 : i32
      %broadcast_in_dim3A_452 = vector.broadcast %broadcast_in_dim3A_451 : i32 to vector<16xi32>
      %gather3A_453 = tpu.vector_load_idx %arg4[%add3A_29, %broadcast_in_dim3A_452] : memref<512x64xf32, #tpu.memory_space<vmem>>[vector<16xi32>, vector<16xi32>], vector<16xf32>,
      %mul3A_454 = arith.constant 16 : i32
      %mul3A_455 = arith.muli %scan3A_23, %mul3A_454 : i32
      %swap3A_456 = arith.constant 47 : i32
      %swap3A_457 = arith.index_cast %swap3A_456 : i32 to index
      %swap3A_458 = arith.index_cast %mul3A_455 : i32 to index
      %swap3A_459 = tpu.vector_load %arg5[%swap3A_457, %swap3A_458] {strides = array<i32>} : memref<64x512xf32, #tpu.memory_space<vmem>>, vector<16xf32>,
      tpu.vector_store %arg5[%swap3A_457, %swap3A_458], %gather3A_453 {strides = array<i32>} : memref<64x512xf32, #tpu.memory_space<vmem>>, vector<16xf32>,
      %broadcast_in_dim3A_460 = arith.constant 48 : i32
      %broadcast_in_dim3A_461 = vector.broadcast %broadcast_in_dim3A_460 : i32 to vector<16xi32>
      %gather3A_462 = tpu.vector_load_idx %arg4[%add3A_29, %broadcast_in_dim3A_461] : memref<512x64xf32, #tpu.memory_space<vmem>>[vector<16xi32>, vector<16xi32>], vector<16xf32>,
      %mul3A_463 = arith.constant 16 : i32
      %mul3A_464 = arith.muli %scan3A_23, %mul3A_463 : i32
      %swap3A_465 = arith.constant 48 : i32
      %swap3A_466 = arith.index_cast %swap3A_465 : i32 to index
      %swap3A_467 = arith.index_cast %mul3A_464 : i32 to index
      %swap3A_468 = tpu.vector_load %arg5[%swap3A_466, %swap3A_467] {strides = array<i32>} : memref<64x512xf32, #tpu.memory_space<vmem>>, vector<16xf32>,
      tpu.vector_store %arg5[%swap3A_466, %swap3A_467], %gather3A_462 {strides = array<i32>} : memref<64x512xf32, #tpu.memory_space<vmem>>, vector<16xf32>,
      %broadcast_in_dim3A_469 = arith.constant 49 : i32
      %broadcast_in_dim3A_470 = vector.broadcast %broadcast_in_dim3A_469 : i32 to vector<16xi32>
      %gather3A_471 = tpu.vector_load_idx %arg4[%add3A_29, %broadcast_in_dim3A_470] : memref<512x64xf32, #tpu.memory_space<vmem>>[vector<16xi32>, vector<16xi32>], vector<16xf32>,
      %mul3A_472 = arith.constant 16 : i32
      %mul3A_473 = arith.muli %scan3A_23, %mul3A_472 : i32
      %swap3A_474 = arith.constant 49 : i32
      %swap3A_475 = arith.index_cast %swap3A_474 : i32 to index
      %swap3A_476 = arith.index_cast %mul3A_473 : i32 to index
      %swap3A_477 = tpu.vector_load %arg5[%swap3A_475, %swap3A_476] {strides = array<i32>} : memref<64x512xf32, #tpu.memory_space<vmem>>, vector<16xf32>,
      tpu.vector_store %arg5[%swap3A_475, %swap3A_476], %gather3A_471 {strides = array<i32>} : memref<64x512xf32, #tpu.memory_space<vmem>>, vector<16xf32>,
      %broadcast_in_dim3A_478 = arith.constant 50 : i32
      %broadcast_in_dim3A_479 = vector.broadcast %broadcast_in_dim3A_478 : i32 to vector<16xi32>
      %gather3A_480 = tpu.vector_load_idx %arg4[%add3A_29, %broadcast_in_dim3A_479] : memref<512x64xf32, #tpu.memory_space<vmem>>[vector<16xi32>, vector<16xi32>], vector<16xf32>,
      %mul3A_481 = arith.constant 16 : i32
      %mul3A_482 = arith.muli %scan3A_23, %mul3A_481 : i32
      %swap3A_483 = arith.constant 50 : i32
      %swap3A_484 = arith.index_cast %swap3A_483 : i32 to index
      %swap3A_485 = arith.index_cast %mul3A_482 : i32 to index
      %swap3A_486 = tpu.vector_load %arg5[%swap3A_484, %swap3A_485] {strides = array<i32>} : memref<64x512xf32, #tpu.memory_space<vmem>>, vector<16xf32>,
      tpu.vector_store %arg5[%swap3A_484, %swap3A_485], %gather3A_480 {strides = array<i32>} : memref<64x512xf32, #tpu.memory_space<vmem>>, vector<16xf32>,
      %broadcast_in_dim3A_487 = arith.constant 51 : i32
      %broadcast_in_dim3A_488 = vector.broadcast %broadcast_in_dim3A_487 : i32 to vector<16xi32>
      %gather3A_489 = tpu.vector_load_idx %arg4[%add3A_29, %broadcast_in_dim3A_488] : memref<512x64xf32, #tpu.memory_space<vmem>>[vector<16xi32>, vector<16xi32>], vector<16xf32>,
      %mul3A_490 = arith.constant 16 : i32
      %mul3A_491 = arith.muli %scan3A_23, %mul3A_490 : i32
      %swap3A_492 = arith.constant 51 : i32
      %swap3A_493 = arith.index_cast %swap3A_492 : i32 to index
      %swap3A_494 = arith.index_cast %mul3A_491 : i32 to index
      %swap3A_495 = tpu.vector_load %arg5[%swap3A_493, %swap3A_494] {strides = array<i32>} : memref<64x512xf32, #tpu.memory_space<vmem>>, vector<16xf32>,
      tpu.vector_store %arg5[%swap3A_493, %swap3A_494], %gather3A_489 {strides = array<i32>} : memref<64x512xf32, #tpu.memory_space<vmem>>, vector<16xf32>,
      %broadcast_in_dim3A_496 = arith.constant 52 : i32
      %broadcast_in_dim3A_497 = vector.broadcast %broadcast_in_dim3A_496 : i32 to vector<16xi32>
      %gather3A_498 = tpu.vector_load_idx %arg4[%add3A_29, %broadcast_in_dim3A_497] : memref<512x64xf32, #tpu.memory_space<vmem>>[vector<16xi32>, vector<16xi32>], vector<16xf32>,
      %mul3A_499 = arith.constant 16 : i32
      %mul3A_500 = arith.muli %scan3A_23, %mul3A_499 : i32
      %swap3A_501 = arith.constant 52 : i32
      %swap3A_502 = arith.index_cast %swap3A_501 : i32 to index
      %swap3A_503 = arith.index_cast %mul3A_500 : i32 to index
      %swap3A_504 = tpu.vector_load %arg5[%swap3A_502, %swap3A_503] {strides = array<i32>} : memref<64x512xf32, #tpu.memory_space<vmem>>, vector<16xf32>,
      tpu.vector_store %arg5[%swap3A_502, %swap3A_503], %gather3A_498 {strides = array<i32>} : memref<64x512xf32, #tpu.memory_space<vmem>>, vector<16xf32>,
      %broadcast_in_dim3A_505 = arith.constant 53 : i32
      %broadcast_in_dim3A_506 = vector.broadcast %broadcast_in_dim3A_505 : i32 to vector<16xi32>
      %gather3A_507 = tpu.vector_load_idx %arg4[%add3A_29, %broadcast_in_dim3A_506] : memref<512x64xf32, #tpu.memory_space<vmem>>[vector<16xi32>, vector<16xi32>], vector<16xf32>,
      %mul3A_508 = arith.constant 16 : i32
      %mul3A_509 = arith.muli %scan3A_23, %mul3A_508 : i32
      %swap3A_510 = arith.constant 53 : i32
      %swap3A_511 = arith.index_cast %swap3A_510 : i32 to index
      %swap3A_512 = arith.index_cast %mul3A_509 : i32 to index
      %swap3A_513 = tpu.vector_load %arg5[%swap3A_511, %swap3A_512] {strides = array<i32>} : memref<64x512xf32, #tpu.memory_space<vmem>>, vector<16xf32>,
      tpu.vector_store %arg5[%swap3A_511, %swap3A_512], %gather3A_507 {strides = array<i32>} : memref<64x512xf32, #tpu.memory_space<vmem>>, vector<16xf32>,
      %broadcast_in_dim3A_514 = arith.constant 54 : i32
      %broadcast_in_dim3A_515 = vector.broadcast %broadcast_in_dim3A_514 : i32 to vector<16xi32>
      %gather3A_516 = tpu.vector_load_idx %arg4[%add3A_29, %broadcast_in_dim3A_515] : memref<512x64xf32, #tpu.memory_space<vmem>>[vector<16xi32>, vector<16xi32>], vector<16xf32>,
      %mul3A_517 = arith.constant 16 : i32
      %mul3A_518 = arith.muli %scan3A_23, %mul3A_517 : i32
      %swap3A_519 = arith.constant 54 : i32
      %swap3A_520 = arith.index_cast %swap3A_519 : i32 to index
      %swap3A_521 = arith.index_cast %mul3A_518 : i32 to index
      %swap3A_522 = tpu.vector_load %arg5[%swap3A_520, %swap3A_521] {strides = array<i32>} : memref<64x512xf32, #tpu.memory_space<vmem>>, vector<16xf32>,
      tpu.vector_store %arg5[%swap3A_520, %swap3A_521], %gather3A_516 {strides = array<i32>} : memref<64x512xf32, #tpu.memory_space<vmem>>, vector<16xf32>,
      %broadcast_in_dim3A_523 = arith.constant 55 : i32
      %broadcast_in_dim3A_524 = vector.broadcast %broadcast_in_dim3A_523 : i32 to vector<16xi32>
      %gather3A_525 = tpu.vector_load_idx %arg4[%add3A_29, %broadcast_in_dim3A_524] : memref<512x64xf32, #tpu.memory_space<vmem>>[vector<16xi32>, vector<16xi32>], vector<16xf32>,
      %mul3A_526 = arith.constant 16 : i32
      %mul3A_527 = arith.muli %scan3A_23, %mul3A_526 : i32
      %swap3A_528 = arith.constant 55 : i32
      %swap3A_529 = arith.index_cast %swap3A_528 : i32 to index
      %swap3A_530 = arith.index_cast %mul3A_527 : i32 to index
      %swap3A_531 = tpu.vector_load %arg5[%swap3A_529, %swap3A_530] {strides = array<i32>} : memref<64x512xf32, #tpu.memory_space<vmem>>, vector<16xf32>,
      tpu.vector_store %arg5[%swap3A_529, %swap3A_530], %gather3A_525 {strides = array<i32>} : memref<64x512xf32, #tpu.memory_space<vmem>>, vector<16xf32>,
      %broadcast_in_dim3A_532 = arith.constant 56 : i32
      %broadcast_in_dim3A_533 = vector.broadcast %broadcast_in_dim3A_532 : i32 to vector<16xi32>
      %gather3A_534 = tpu.vector_load_idx %arg4[%add3A_29, %broadcast_in_dim3A_533] : memref<512x64xf32, #tpu.memory_space<vmem>>[vector<16xi32>, vector<16xi32>], vector<16xf32>,
      %mul3A_535 = arith.constant 16 : i32
      %mul3A_536 = arith.muli %scan3A_23, %mul3A_535 : i32
      %swap3A_537 = arith.constant 56 : i32
      %swap3A_538 = arith.index_cast %swap3A_537 : i32 to index
      %swap3A_539 = arith.index_cast %mul3A_536 : i32 to index
      %swap3A_540 = tpu.vector_load %arg5[%swap3A_538, %swap3A_539] {strides = array<i32>} : memref<64x512xf32, #tpu.memory_space<vmem>>, vector<16xf32>,
      tpu.vector_store %arg5[%swap3A_538, %swap3A_539], %gather3A_534 {strides = array<i32>} : memref<64x512xf32, #tpu.memory_space<vmem>>, vector<16xf32>,
      %broadcast_in_dim3A_541 = arith.constant 57 : i32
      %broadcast_in_dim3A_542 = vector.broadcast %broadcast_in_dim3A_541 : i32 to vector<16xi32>
      %gather3A_543 = tpu.vector_load_idx %arg4[%add3A_29, %broadcast_in_dim3A_542] : memref<512x64xf32, #tpu.memory_space<vmem>>[vector<16xi32>, vector<16xi32>], vector<16xf32>,
      %mul3A_544 = arith.constant 16 : i32
      %mul3A_545 = arith.muli %scan3A_23, %mul3A_544 : i32
      %swap3A_546 = arith.constant 57 : i32
      %swap3A_547 = arith.index_cast %swap3A_546 : i32 to index
      %swap3A_548 = arith.index_cast %mul3A_545 : i32 to index
      %swap3A_549 = tpu.vector_load %arg5[%swap3A_547, %swap3A_548] {strides = array<i32>} : memref<64x512xf32, #tpu.memory_space<vmem>>, vector<16xf32>,
      tpu.vector_store %arg5[%swap3A_547, %swap3A_548], %gather3A_543 {strides = array<i32>} : memref<64x512xf32, #tpu.memory_space<vmem>>, vector<16xf32>,
      %broadcast_in_dim3A_550 = arith.constant 58 : i32
      %broadcast_in_dim3A_551 = vector.broadcast %broadcast_in_dim3A_550 : i32 to vector<16xi32>
      %gather3A_552 = tpu.vector_load_idx %arg4[%add3A_29, %broadcast_in_dim3A_551] : memref<512x64xf32, #tpu.memory_space<vmem>>[vector<16xi32>, vector<16xi32>], vector<16xf32>,
      %mul3A_553 = arith.constant 16 : i32
      %mul3A_554 = arith.muli %scan3A_23, %mul3A_553 : i32
      %swap3A_555 = arith.constant 58 : i32
      %swap3A_556 = arith.index_cast %swap3A_555 : i32 to index
      %swap3A_557 = arith.index_cast %mul3A_554 : i32 to index
      %swap3A_558 = tpu.vector_load %arg5[%swap3A_556, %swap3A_557] {strides = array<i32>} : memref<64x512xf32, #tpu.memory_space<vmem>>, vector<16xf32>,
      tpu.vector_store %arg5[%swap3A_556, %swap3A_557], %gather3A_552 {strides = array<i32>} : memref<64x512xf32, #tpu.memory_space<vmem>>, vector<16xf32>,
      %broadcast_in_dim3A_559 = arith.constant 59 : i32
      %broadcast_in_dim3A_560 = vector.broadcast %broadcast_in_dim3A_559 : i32 to vector<16xi32>
      %gather3A_561 = tpu.vector_load_idx %arg4[%add3A_29, %broadcast_in_dim3A_560] : memref<512x64xf32, #tpu.memory_space<vmem>>[vector<16xi32>, vector<16xi32>], vector<16xf32>,
      %mul3A_562 = arith.constant 16 : i32
      %mul3A_563 = arith.muli %scan3A_23, %mul3A_562 : i32
      %swap3A_564 = arith.constant 59 : i32
      %swap3A_565 = arith.index_cast %swap3A_564 : i32 to index
      %swap3A_566 = arith.index_cast %mul3A_563 : i32 to index
      %swap3A_567 = tpu.vector_load %arg5[%swap3A_565, %swap3A_566] {strides = array<i32>} : memref<64x512xf32, #tpu.memory_space<vmem>>, vector<16xf32>,
      tpu.vector_store %arg5[%swap3A_565, %swap3A_566], %gather3A_561 {strides = array<i32>} : memref<64x512xf32, #tpu.memory_space<vmem>>, vector<16xf32>,
      %broadcast_in_dim3A_568 = arith.constant 60 : i32
      %broadcast_in_dim3A_569 = vector.broadcast %broadcast_in_dim3A_568 : i32 to vector<16xi32>
      %gather3A_570 = tpu.vector_load_idx %arg4[%add3A_29, %broadcast_in_dim3A_569] : memref<512x64xf32, #tpu.memory_space<vmem>>[vector<16xi32>, vector<16xi32>], vector<16xf32>,
      %mul3A_571 = arith.constant 16 : i32
      %mul3A_572 = arith.muli %scan3A_23, %mul3A_571 : i32
      %swap3A_573 = arith.constant 60 : i32
      %swap3A_574 = arith.index_cast %swap3A_573 : i32 to index
      %swap3A_575 = arith.index_cast %mul3A_572 : i32 to index
      %swap3A_576 = tpu.vector_load %arg5[%swap3A_574, %swap3A_575] {strides = array<i32>} : memref<64x512xf32, #tpu.memory_space<vmem>>, vector<16xf32>,
      tpu.vector_store %arg5[%swap3A_574, %swap3A_575], %gather3A_570 {strides = array<i32>} : memref<64x512xf32, #tpu.memory_space<vmem>>, vector<16xf32>,
      %broadcast_in_dim3A_577 = arith.constant 61 : i32
      %broadcast_in_dim3A_578 = vector.broadcast %broadcast_in_dim3A_577 : i32 to vector<16xi32>
      %gather3A_579 = tpu.vector_load_idx %arg4[%add3A_29, %broadcast_in_dim3A_578] : memref<512x64xf32, #tpu.memory_space<vmem>>[vector<16xi32>, vector<16xi32>], vector<16xf32>,
      %mul3A_580 = arith.constant 16 : i32
      %mul3A_581 = arith.muli %scan3A_23, %mul3A_580 : i32
      %swap3A_582 = arith.constant 61 : i32
      %swap3A_583 = arith.index_cast %swap3A_582 : i32 to index
      %swap3A_584 = arith.index_cast %mul3A_581 : i32 to index
      %swap3A_585 = tpu.vector_load %arg5[%swap3A_583, %swap3A_584] {strides = array<i32>} : memref<64x512xf32, #tpu.memory_space<vmem>>, vector<16xf32>,
      tpu.vector_store %arg5[%swap3A_583, %swap3A_584], %gather3A_579 {strides = array<i32>} : memref<64x512xf32, #tpu.memory_space<vmem>>, vector<16xf32>,
      %broadcast_in_dim3A_586 = arith.constant 62 : i32
      %broadcast_in_dim3A_587 = vector.broadcast %broadcast_in_dim3A_586 : i32 to vector<16xi32>
      %gather3A_588 = tpu.vector_load_idx %arg4[%add3A_29, %broadcast_in_dim3A_587] : memref<512x64xf32, #tpu.memory_space<vmem>>[vector<16xi32>, vector<16xi32>], vector<16xf32>,
      %mul3A_589 = arith.constant 16 : i32
      %mul3A_590 = arith.muli %scan3A_23, %mul3A_589 : i32
      %swap3A_591 = arith.constant 62 : i32
      %swap3A_592 = arith.index_cast %swap3A_591 : i32 to index
      %swap3A_593 = arith.index_cast %mul3A_590 : i32 to index
      %swap3A_594 = tpu.vector_load %arg5[%swap3A_592, %swap3A_593] {strides = array<i32>} : memref<64x512xf32, #tpu.memory_space<vmem>>, vector<16xf32>,
      tpu.vector_store %arg5[%swap3A_592, %swap3A_593], %gather3A_588 {strides = array<i32>} : memref<64x512xf32, #tpu.memory_space<vmem>>, vector<16xf32>,
      %broadcast_in_dim3A_595 = arith.constant 63 : i32
      %broadcast_in_dim3A_596 = vector.broadcast %broadcast_in_dim3A_595 : i32 to vector<16xi32>
      %gather3A_597 = tpu.vector_load_idx %arg4[%add3A_29, %broadcast_in_dim3A_596] : memref<512x64xf32, #tpu.memory_space<vmem>>[vector<16xi32>, vector<16xi32>], vector<16xf32>,
      %mul3A_598 = arith.constant 16 : i32
      %mul3A_599 = arith.muli %scan3A_23, %mul3A_598 : i32
      %swap3A_600 = arith.constant 63 : i32
      %swap3A_601 = arith.index_cast %swap3A_600 : i32 to index
      %swap3A_602 = arith.index_cast %mul3A_599 : i32 to index
      %swap3A_603 = tpu.vector_load %arg5[%swap3A_601, %swap3A_602] {strides = array<i32>} : memref<64x512xf32, #tpu.memory_space<vmem>>, vector<16xf32>,
      tpu.vector_store %arg5[%swap3A_601, %swap3A_602], %gather3A_597 {strides = array<i32>} : memref<64x512xf32, #tpu.memory_space<vmem>>, vector<16xf32>,
      %scan3A_604 = arith.constant 0 : i32
      scf.yield %scan3A_604 : i32
    }
    %scan3A_11 = arith.constant 32 : i32
    "tpu.region"() ({
      %run_scoped3A = tpu.sem_alloc : memref<!tpu.dma_semaphore, #tpu.memory_space<semaphore_mem>>
      %dma_start3A = arith.constant 0 : i32
      %dma_start3A_23 = tpu.memref_slice %arg3[%dma_start3A, %add3A_5] : memref<64x32768xf32, #tpu.memory_space<hbm>> -> memref<64x512xf32, #tpu.memory_space<hbm>>
      %dma_start3A_24 = arith.constant 0 : i32
      %dma_start3A_25 = tpu.memref_slice %arg3[%dma_start3A_24, %add3A_5] : memref<64x32768xf32, #tpu.memory_space<hbm>> -> memref<64x512xf32, #tpu.memory_space<hbm>>
      tpu.enqueue_dma source(%arg5 : memref<64x512xf32, #tpu.memory_space<vmem>>) target(%dma_start3A_25 : memref<64x512xf32, #tpu.memory_space<hbm>>) target_semaphore(%run_scoped3A : memref<!tpu.dma_semaphore, #tpu.memory_space<semaphore_mem>>)
      %dma_wait3A = arith.constant 0 : i32
      %dma_wait3A_26 = tpu.memref_slice %arg3[%dma_wait3A, %add3A_5] : memref<64x32768xf32, #tpu.memory_space<hbm>> -> memref<64x512xf32, #tpu.memory_space<hbm>>
      %dma_wait3A_27 = arith.constant 0 : i32
      %dma_wait3A_28 = tpu.memref_slice %arg3[%dma_wait3A_27, %add3A_5] : memref<64x32768xf32, #tpu.memory_space<hbm>> -> memref<64x512xf32, #tpu.memory_space<hbm>>
      tpu.wait_dma2 semaphore(%run_scoped3A : memref<!tpu.dma_semaphore, #tpu.memory_space<semaphore_mem>>) src(%arg5 : memref<64x512xf32, #tpu.memory_space<vmem>>) dst(%dma_wait3A_28 : memref<64x512xf32, #tpu.memory_space<hbm>>)
      tpu.yield
    }) : () -> ()
    %mul3A_12 = arith.constant 1024 : i32
    %mul3A_13 = arith.muli %add3A, %mul3A_12 : i32
    %add3A_14 = arith.constant 512 : i32
    %add3A_15 = arith.addi %mul3A_13, %add3A_14 : i32
    "tpu.region"() ({
      %run_scoped3A = tpu.sem_alloc : memref<!tpu.dma_semaphore, #tpu.memory_space<semaphore_mem>>
      %dma_start3A = arith.constant 0 : i32
      %dma_start3A_23 = tpu.memref_slice %arg2[%add3A_15, %dma_start3A] : memref<32768x64xf32, #tpu.memory_space<hbm>> -> memref<512x64xf32, #tpu.memory_space<hbm>>
      %dma_start3A_24 = arith.constant 0 : i32
      %dma_start3A_25 = tpu.memref_slice %arg2[%add3A_15, %dma_start3A_24] : memref<32768x64xf32, #tpu.memory_space<hbm>> -> memref<512x64xf32, #tpu.memory_space<hbm>>
      tpu.enqueue_dma source(%dma_start3A_25 : memref<512x64xf32, #tpu.memory_space<hbm>>) target(%arg4 : memref<512x64xf32, #tpu.memory_space<vmem>>) target_semaphore(%run_scoped3A : memref<!tpu.dma_semaphore, #tpu.memory_space<semaphore_mem>>)
      %dma_wait3A = arith.constant 0 : i32
      %dma_wait3A_26 = tpu.memref_slice %arg2[%add3A_15, %dma_wait3A] : memref<32768x64xf32, #tpu.memory_space<hbm>> -> memref<512x64xf32, #tpu.memory_space<hbm>>
      %dma_wait3A_27 = arith.constant 0 : i32
      %dma_wait3A_28 = tpu.memref_slice %arg2[%add3A_15, %dma_wait3A_27] : memref<32768x64xf32, #tpu.memory_space<hbm>> -> memref<512x64xf32, #tpu.memory_space<hbm>>
      tpu.wait_dma2 semaphore(%run_scoped3A : memref<!tpu.dma_semaphore, #tpu.memory_space<semaphore_mem>>) src(%dma_wait3A_28 : memref<512x64xf32, #tpu.memory_space<hbm>>) dst(%arg4 : memref<512x64xf32, #tpu.memory_space<vmem>>)
      tpu.yield
    }) : () -> ()
    %scan3A_16 = arith.constant 0 : i32
    %scan3A_17 = arith.constant 0 : i32
    %scan3A_18 = arith.constant 32 : i32
    %scan3A_19 = arith.addi %scan3A_17, %scan3A_18 : i32
    %scan3A_20 = arith.constant 1 : i32
    %scan3A_21 = scf.for %scan3A_23 = %scan3A_17 to %scan3A_19 step %scan3A_20 iter_args(%scan3A_24 = %scan3A_16) -> (i32)  : i32 {
      %get3A = arith.constant 0 : index
      %get3A_25 = tpu.vector_load %arg6[%get3A] {strides = array<i32>} : memref<16xi32, #tpu.memory_space<vmem>>, vector<16xi32>,
      %mul3A_26 = arith.constant 16 : i32
      %mul3A_27 = arith.muli %scan3A_23, %mul3A_26 : i32
      %add3A_28 = vector.broadcast %mul3A_27 : i32 to vector<16xi32>
      %add3A_29 = arith.addi %get3A_25, %add3A_28 : vector<16xi32>
      %broadcast_in_dim3A = arith.constant 0 : i32
      %broadcast_in_dim3A_30 = vector.broadcast %broadcast_in_dim3A : i32 to vector<16xi32>
      %gather3A = tpu.vector_load_idx %arg4[%add3A_29, %broadcast_in_dim3A_30] : memref<512x64xf32, #tpu.memory_space<vmem>>[vector<16xi32>, vector<16xi32>], vector<16xf32>,
      %mul3A_31 = arith.constant 16 : i32
      %mul3A_32 = arith.muli %scan3A_23, %mul3A_31 : i32
      %swap3A_33 = arith.constant 0 : i32
      %swap3A_34 = arith.index_cast %swap3A_33 : i32 to index
      %swap3A_35 = arith.index_cast %mul3A_32 : i32 to index
      %swap3A_36 = tpu.vector_load %arg5[%swap3A_34, %swap3A_35] {strides = array<i32>} : memref<64x512xf32, #tpu.memory_space<vmem>>, vector<16xf32>,
      tpu.vector_store %arg5[%swap3A_34, %swap3A_35], %gather3A {strides = array<i32>} : memref<64x512xf32, #tpu.memory_space<vmem>>, vector<16xf32>,
      %broadcast_in_dim3A_37 = arith.constant 1 : i32
      %broadcast_in_dim3A_38 = vector.broadcast %broadcast_in_dim3A_37 : i32 to vector<16xi32>
      %gather3A_39 = tpu.vector_load_idx %arg4[%add3A_29, %broadcast_in_dim3A_38] : memref<512x64xf32, #tpu.memory_space<vmem>>[vector<16xi32>, vector<16xi32>], vector<16xf32>,
      %mul3A_40 = arith.constant 16 : i32
      %mul3A_41 = arith.muli %scan3A_23, %mul3A_40 : i32
      %swap3A_42 = arith.constant 1 : i32
      %swap3A_43 = arith.index_cast %swap3A_42 : i32 to index
      %swap3A_44 = arith.index_cast %mul3A_41 : i32 to index
      %swap3A_45 = tpu.vector_load %arg5[%swap3A_43, %swap3A_44] {strides = array<i32>} : memref<64x512xf32, #tpu.memory_space<vmem>>, vector<16xf32>,
      tpu.vector_store %arg5[%swap3A_43, %swap3A_44], %gather3A_39 {strides = array<i32>} : memref<64x512xf32, #tpu.memory_space<vmem>>, vector<16xf32>,
      %broadcast_in_dim3A_46 = arith.constant 2 : i32
      %broadcast_in_dim3A_47 = vector.broadcast %broadcast_in_dim3A_46 : i32 to vector<16xi32>
      %gather3A_48 = tpu.vector_load_idx %arg4[%add3A_29, %broadcast_in_dim3A_47] : memref<512x64xf32, #tpu.memory_space<vmem>>[vector<16xi32>, vector<16xi32>], vector<16xf32>,
      %mul3A_49 = arith.constant 16 : i32
      %mul3A_50 = arith.muli %scan3A_23, %mul3A_49 : i32
      %swap3A_51 = arith.constant 2 : i32
      %swap3A_52 = arith.index_cast %swap3A_51 : i32 to index
      %swap3A_53 = arith.index_cast %mul3A_50 : i32 to index
      %swap3A_54 = tpu.vector_load %arg5[%swap3A_52, %swap3A_53] {strides = array<i32>} : memref<64x512xf32, #tpu.memory_space<vmem>>, vector<16xf32>,
      tpu.vector_store %arg5[%swap3A_52, %swap3A_53], %gather3A_48 {strides = array<i32>} : memref<64x512xf32, #tpu.memory_space<vmem>>, vector<16xf32>,
      %broadcast_in_dim3A_55 = arith.constant 3 : i32
      %broadcast_in_dim3A_56 = vector.broadcast %broadcast_in_dim3A_55 : i32 to vector<16xi32>
      %gather3A_57 = tpu.vector_load_idx %arg4[%add3A_29, %broadcast_in_dim3A_56] : memref<512x64xf32, #tpu.memory_space<vmem>>[vector<16xi32>, vector<16xi32>], vector<16xf32>,
      %mul3A_58 = arith.constant 16 : i32
      %mul3A_59 = arith.muli %scan3A_23, %mul3A_58 : i32
      %swap3A_60 = arith.constant 3 : i32
      %swap3A_61 = arith.index_cast %swap3A_60 : i32 to index
      %swap3A_62 = arith.index_cast %mul3A_59 : i32 to index
      %swap3A_63 = tpu.vector_load %arg5[%swap3A_61, %swap3A_62] {strides = array<i32>} : memref<64x512xf32, #tpu.memory_space<vmem>>, vector<16xf32>,
      tpu.vector_store %arg5[%swap3A_61, %swap3A_62], %gather3A_57 {strides = array<i32>} : memref<64x512xf32, #tpu.memory_space<vmem>>, vector<16xf32>,
      %broadcast_in_dim3A_64 = arith.constant 4 : i32
      %broadcast_in_dim3A_65 = vector.broadcast %broadcast_in_dim3A_64 : i32 to vector<16xi32>
      %gather3A_66 = tpu.vector_load_idx %arg4[%add3A_29, %broadcast_in_dim3A_65] : memref<512x64xf32, #tpu.memory_space<vmem>>[vector<16xi32>, vector<16xi32>], vector<16xf32>,
      %mul3A_67 = arith.constant 16 : i32
      %mul3A_68 = arith.muli %scan3A_23, %mul3A_67 : i32
      %swap3A_69 = arith.constant 4 : i32
      %swap3A_70 = arith.index_cast %swap3A_69 : i32 to index
      %swap3A_71 = arith.index_cast %mul3A_68 : i32 to index
      %swap3A_72 = tpu.vector_load %arg5[%swap3A_70, %swap3A_71] {strides = array<i32>} : memref<64x512xf32, #tpu.memory_space<vmem>>, vector<16xf32>,
      tpu.vector_store %arg5[%swap3A_70, %swap3A_71], %gather3A_66 {strides = array<i32>} : memref<64x512xf32, #tpu.memory_space<vmem>>, vector<16xf32>,
      %broadcast_in_dim3A_73 = arith.constant 5 : i32
      %broadcast_in_dim3A_74 = vector.broadcast %broadcast_in_dim3A_73 : i32 to vector<16xi32>
      %gather3A_75 = tpu.vector_load_idx %arg4[%add3A_29, %broadcast_in_dim3A_74] : memref<512x64xf32, #tpu.memory_space<vmem>>[vector<16xi32>, vector<16xi32>], vector<16xf32>,
      %mul3A_76 = arith.constant 16 : i32
      %mul3A_77 = arith.muli %scan3A_23, %mul3A_76 : i32
      %swap3A_78 = arith.constant 5 : i32
      %swap3A_79 = arith.index_cast %swap3A_78 : i32 to index
      %swap3A_80 = arith.index_cast %mul3A_77 : i32 to index
      %swap3A_81 = tpu.vector_load %arg5[%swap3A_79, %swap3A_80] {strides = array<i32>} : memref<64x512xf32, #tpu.memory_space<vmem>>, vector<16xf32>,
      tpu.vector_store %arg5[%swap3A_79, %swap3A_80], %gather3A_75 {strides = array<i32>} : memref<64x512xf32, #tpu.memory_space<vmem>>, vector<16xf32>,
      %broadcast_in_dim3A_82 = arith.constant 6 : i32
      %broadcast_in_dim3A_83 = vector.broadcast %broadcast_in_dim3A_82 : i32 to vector<16xi32>
      %gather3A_84 = tpu.vector_load_idx %arg4[%add3A_29, %broadcast_in_dim3A_83] : memref<512x64xf32, #tpu.memory_space<vmem>>[vector<16xi32>, vector<16xi32>], vector<16xf32>,
      %mul3A_85 = arith.constant 16 : i32
      %mul3A_86 = arith.muli %scan3A_23, %mul3A_85 : i32
      %swap3A_87 = arith.constant 6 : i32
      %swap3A_88 = arith.index_cast %swap3A_87 : i32 to index
      %swap3A_89 = arith.index_cast %mul3A_86 : i32 to index
      %swap3A_90 = tpu.vector_load %arg5[%swap3A_88, %swap3A_89] {strides = array<i32>} : memref<64x512xf32, #tpu.memory_space<vmem>>, vector<16xf32>,
      tpu.vector_store %arg5[%swap3A_88, %swap3A_89], %gather3A_84 {strides = array<i32>} : memref<64x512xf32, #tpu.memory_space<vmem>>, vector<16xf32>,
      %broadcast_in_dim3A_91 = arith.constant 7 : i32
      %broadcast_in_dim3A_92 = vector.broadcast %broadcast_in_dim3A_91 : i32 to vector<16xi32>
      %gather3A_93 = tpu.vector_load_idx %arg4[%add3A_29, %broadcast_in_dim3A_92] : memref<512x64xf32, #tpu.memory_space<vmem>>[vector<16xi32>, vector<16xi32>], vector<16xf32>,
      %mul3A_94 = arith.constant 16 : i32
      %mul3A_95 = arith.muli %scan3A_23, %mul3A_94 : i32
      %swap3A_96 = arith.constant 7 : i32
      %swap3A_97 = arith.index_cast %swap3A_96 : i32 to index
      %swap3A_98 = arith.index_cast %mul3A_95 : i32 to index
      %swap3A_99 = tpu.vector_load %arg5[%swap3A_97, %swap3A_98] {strides = array<i32>} : memref<64x512xf32, #tpu.memory_space<vmem>>, vector<16xf32>,
      tpu.vector_store %arg5[%swap3A_97, %swap3A_98], %gather3A_93 {strides = array<i32>} : memref<64x512xf32, #tpu.memory_space<vmem>>, vector<16xf32>,
      %broadcast_in_dim3A_100 = arith.constant 8 : i32
      %broadcast_in_dim3A_101 = vector.broadcast %broadcast_in_dim3A_100 : i32 to vector<16xi32>
      %gather3A_102 = tpu.vector_load_idx %arg4[%add3A_29, %broadcast_in_dim3A_101] : memref<512x64xf32, #tpu.memory_space<vmem>>[vector<16xi32>, vector<16xi32>], vector<16xf32>,
      %mul3A_103 = arith.constant 16 : i32
      %mul3A_104 = arith.muli %scan3A_23, %mul3A_103 : i32
      %swap3A_105 = arith.constant 8 : i32
      %swap3A_106 = arith.index_cast %swap3A_105 : i32 to index
      %swap3A_107 = arith.index_cast %mul3A_104 : i32 to index
      %swap3A_108 = tpu.vector_load %arg5[%swap3A_106, %swap3A_107] {strides = array<i32>} : memref<64x512xf32, #tpu.memory_space<vmem>>, vector<16xf32>,
      tpu.vector_store %arg5[%swap3A_106, %swap3A_107], %gather3A_102 {strides = array<i32>} : memref<64x512xf32, #tpu.memory_space<vmem>>, vector<16xf32>,
      %broadcast_in_dim3A_109 = arith.constant 9 : i32
      %broadcast_in_dim3A_110 = vector.broadcast %broadcast_in_dim3A_109 : i32 to vector<16xi32>
      %gather3A_111 = tpu.vector_load_idx %arg4[%add3A_29, %broadcast_in_dim3A_110] : memref<512x64xf32, #tpu.memory_space<vmem>>[vector<16xi32>, vector<16xi32>], vector<16xf32>,
      %mul3A_112 = arith.constant 16 : i32
      %mul3A_113 = arith.muli %scan3A_23, %mul3A_112 : i32
      %swap3A_114 = arith.constant 9 : i32
      %swap3A_115 = arith.index_cast %swap3A_114 : i32 to index
      %swap3A_116 = arith.index_cast %mul3A_113 : i32 to index
      %swap3A_117 = tpu.vector_load %arg5[%swap3A_115, %swap3A_116] {strides = array<i32>} : memref<64x512xf32, #tpu.memory_space<vmem>>, vector<16xf32>,
      tpu.vector_store %arg5[%swap3A_115, %swap3A_116], %gather3A_111 {strides = array<i32>} : memref<64x512xf32, #tpu.memory_space<vmem>>, vector<16xf32>,
      %broadcast_in_dim3A_118 = arith.constant 10 : i32
      %broadcast_in_dim3A_119 = vector.broadcast %broadcast_in_dim3A_118 : i32 to vector<16xi32>
      %gather3A_120 = tpu.vector_load_idx %arg4[%add3A_29, %broadcast_in_dim3A_119] : memref<512x64xf32, #tpu.memory_space<vmem>>[vector<16xi32>, vector<16xi32>], vector<16xf32>,
      %mul3A_121 = arith.constant 16 : i32
      %mul3A_122 = arith.muli %scan3A_23, %mul3A_121 : i32
      %swap3A_123 = arith.constant 10 : i32
      %swap3A_124 = arith.index_cast %swap3A_123 : i32 to index
      %swap3A_125 = arith.index_cast %mul3A_122 : i32 to index
      %swap3A_126 = tpu.vector_load %arg5[%swap3A_124, %swap3A_125] {strides = array<i32>} : memref<64x512xf32, #tpu.memory_space<vmem>>, vector<16xf32>,
      tpu.vector_store %arg5[%swap3A_124, %swap3A_125], %gather3A_120 {strides = array<i32>} : memref<64x512xf32, #tpu.memory_space<vmem>>, vector<16xf32>,
      %broadcast_in_dim3A_127 = arith.constant 11 : i32
      %broadcast_in_dim3A_128 = vector.broadcast %broadcast_in_dim3A_127 : i32 to vector<16xi32>
      %gather3A_129 = tpu.vector_load_idx %arg4[%add3A_29, %broadcast_in_dim3A_128] : memref<512x64xf32, #tpu.memory_space<vmem>>[vector<16xi32>, vector<16xi32>], vector<16xf32>,
      %mul3A_130 = arith.constant 16 : i32
      %mul3A_131 = arith.muli %scan3A_23, %mul3A_130 : i32
      %swap3A_132 = arith.constant 11 : i32
      %swap3A_133 = arith.index_cast %swap3A_132 : i32 to index
      %swap3A_134 = arith.index_cast %mul3A_131 : i32 to index
      %swap3A_135 = tpu.vector_load %arg5[%swap3A_133, %swap3A_134] {strides = array<i32>} : memref<64x512xf32, #tpu.memory_space<vmem>>, vector<16xf32>,
      tpu.vector_store %arg5[%swap3A_133, %swap3A_134], %gather3A_129 {strides = array<i32>} : memref<64x512xf32, #tpu.memory_space<vmem>>, vector<16xf32>,
      %broadcast_in_dim3A_136 = arith.constant 12 : i32
      %broadcast_in_dim3A_137 = vector.broadcast %broadcast_in_dim3A_136 : i32 to vector<16xi32>
      %gather3A_138 = tpu.vector_load_idx %arg4[%add3A_29, %broadcast_in_dim3A_137] : memref<512x64xf32, #tpu.memory_space<vmem>>[vector<16xi32>, vector<16xi32>], vector<16xf32>,
      %mul3A_139 = arith.constant 16 : i32
      %mul3A_140 = arith.muli %scan3A_23, %mul3A_139 : i32
      %swap3A_141 = arith.constant 12 : i32
      %swap3A_142 = arith.index_cast %swap3A_141 : i32 to index
      %swap3A_143 = arith.index_cast %mul3A_140 : i32 to index
      %swap3A_144 = tpu.vector_load %arg5[%swap3A_142, %swap3A_143] {strides = array<i32>} : memref<64x512xf32, #tpu.memory_space<vmem>>, vector<16xf32>,
      tpu.vector_store %arg5[%swap3A_142, %swap3A_143], %gather3A_138 {strides = array<i32>} : memref<64x512xf32, #tpu.memory_space<vmem>>, vector<16xf32>,
      %broadcast_in_dim3A_145 = arith.constant 13 : i32
      %broadcast_in_dim3A_146 = vector.broadcast %broadcast_in_dim3A_145 : i32 to vector<16xi32>
      %gather3A_147 = tpu.vector_load_idx %arg4[%add3A_29, %broadcast_in_dim3A_146] : memref<512x64xf32, #tpu.memory_space<vmem>>[vector<16xi32>, vector<16xi32>], vector<16xf32>,
      %mul3A_148 = arith.constant 16 : i32
      %mul3A_149 = arith.muli %scan3A_23, %mul3A_148 : i32
      %swap3A_150 = arith.constant 13 : i32
      %swap3A_151 = arith.index_cast %swap3A_150 : i32 to index
      %swap3A_152 = arith.index_cast %mul3A_149 : i32 to index
      %swap3A_153 = tpu.vector_load %arg5[%swap3A_151, %swap3A_152] {strides = array<i32>} : memref<64x512xf32, #tpu.memory_space<vmem>>, vector<16xf32>,
      tpu.vector_store %arg5[%swap3A_151, %swap3A_152], %gather3A_147 {strides = array<i32>} : memref<64x512xf32, #tpu.memory_space<vmem>>, vector<16xf32>,
      %broadcast_in_dim3A_154 = arith.constant 14 : i32
      %broadcast_in_dim3A_155 = vector.broadcast %broadcast_in_dim3A_154 : i32 to vector<16xi32>
      %gather3A_156 = tpu.vector_load_idx %arg4[%add3A_29, %broadcast_in_dim3A_155] : memref<512x64xf32, #tpu.memory_space<vmem>>[vector<16xi32>, vector<16xi32>], vector<16xf32>,
      %mul3A_157 = arith.constant 16 : i32
      %mul3A_158 = arith.muli %scan3A_23, %mul3A_157 : i32
      %swap3A_159 = arith.constant 14 : i32
      %swap3A_160 = arith.index_cast %swap3A_159 : i32 to index
      %swap3A_161 = arith.index_cast %mul3A_158 : i32 to index
      %swap3A_162 = tpu.vector_load %arg5[%swap3A_160, %swap3A_161] {strides = array<i32>} : memref<64x512xf32, #tpu.memory_space<vmem>>, vector<16xf32>,
      tpu.vector_store %arg5[%swap3A_160, %swap3A_161], %gather3A_156 {strides = array<i32>} : memref<64x512xf32, #tpu.memory_space<vmem>>, vector<16xf32>,
      %broadcast_in_dim3A_163 = arith.constant 15 : i32
      %broadcast_in_dim3A_164 = vector.broadcast %broadcast_in_dim3A_163 : i32 to vector<16xi32>
      %gather3A_165 = tpu.vector_load_idx %arg4[%add3A_29, %broadcast_in_dim3A_164] : memref<512x64xf32, #tpu.memory_space<vmem>>[vector<16xi32>, vector<16xi32>], vector<16xf32>,
      %mul3A_166 = arith.constant 16 : i32
      %mul3A_167 = arith.muli %scan3A_23, %mul3A_166 : i32
      %swap3A_168 = arith.constant 15 : i32
      %swap3A_169 = arith.index_cast %swap3A_168 : i32 to index
      %swap3A_170 = arith.index_cast %mul3A_167 : i32 to index
      %swap3A_171 = tpu.vector_load %arg5[%swap3A_169, %swap3A_170] {strides = array<i32>} : memref<64x512xf32, #tpu.memory_space<vmem>>, vector<16xf32>,
      tpu.vector_store %arg5[%swap3A_169, %swap3A_170], %gather3A_165 {strides = array<i32>} : memref<64x512xf32, #tpu.memory_space<vmem>>, vector<16xf32>,
      %broadcast_in_dim3A_172 = arith.constant 16 : i32
      %broadcast_in_dim3A_173 = vector.broadcast %broadcast_in_dim3A_172 : i32 to vector<16xi32>
      %gather3A_174 = tpu.vector_load_idx %arg4[%add3A_29, %broadcast_in_dim3A_173] : memref<512x64xf32, #tpu.memory_space<vmem>>[vector<16xi32>, vector<16xi32>], vector<16xf32>,
      %mul3A_175 = arith.constant 16 : i32
      %mul3A_176 = arith.muli %scan3A_23, %mul3A_175 : i32
      %swap3A_177 = arith.constant 16 : i32
      %swap3A_178 = arith.index_cast %swap3A_177 : i32 to index
      %swap3A_179 = arith.index_cast %mul3A_176 : i32 to index
      %swap3A_180 = tpu.vector_load %arg5[%swap3A_178, %swap3A_179] {strides = array<i32>} : memref<64x512xf32, #tpu.memory_space<vmem>>, vector<16xf32>,
      tpu.vector_store %arg5[%swap3A_178, %swap3A_179], %gather3A_174 {strides = array<i32>} : memref<64x512xf32, #tpu.memory_space<vmem>>, vector<16xf32>,
      %broadcast_in_dim3A_181 = arith.constant 17 : i32
      %broadcast_in_dim3A_182 = vector.broadcast %broadcast_in_dim3A_181 : i32 to vector<16xi32>
      %gather3A_183 = tpu.vector_load_idx %arg4[%add3A_29, %broadcast_in_dim3A_182] : memref<512x64xf32, #tpu.memory_space<vmem>>[vector<16xi32>, vector<16xi32>], vector<16xf32>,
      %mul3A_184 = arith.constant 16 : i32
      %mul3A_185 = arith.muli %scan3A_23, %mul3A_184 : i32
      %swap3A_186 = arith.constant 17 : i32
      %swap3A_187 = arith.index_cast %swap3A_186 : i32 to index
      %swap3A_188 = arith.index_cast %mul3A_185 : i32 to index
      %swap3A_189 = tpu.vector_load %arg5[%swap3A_187, %swap3A_188] {strides = array<i32>} : memref<64x512xf32, #tpu.memory_space<vmem>>, vector<16xf32>,
      tpu.vector_store %arg5[%swap3A_187, %swap3A_188], %gather3A_183 {strides = array<i32>} : memref<64x512xf32, #tpu.memory_space<vmem>>, vector<16xf32>,
      %broadcast_in_dim3A_190 = arith.constant 18 : i32
      %broadcast_in_dim3A_191 = vector.broadcast %broadcast_in_dim3A_190 : i32 to vector<16xi32>
      %gather3A_192 = tpu.vector_load_idx %arg4[%add3A_29, %broadcast_in_dim3A_191] : memref<512x64xf32, #tpu.memory_space<vmem>>[vector<16xi32>, vector<16xi32>], vector<16xf32>,
      %mul3A_193 = arith.constant 16 : i32
      %mul3A_194 = arith.muli %scan3A_23, %mul3A_193 : i32
      %swap3A_195 = arith.constant 18 : i32
      %swap3A_196 = arith.index_cast %swap3A_195 : i32 to index
      %swap3A_197 = arith.index_cast %mul3A_194 : i32 to index
      %swap3A_198 = tpu.vector_load %arg5[%swap3A_196, %swap3A_197] {strides = array<i32>} : memref<64x512xf32, #tpu.memory_space<vmem>>, vector<16xf32>,
      tpu.vector_store %arg5[%swap3A_196, %swap3A_197], %gather3A_192 {strides = array<i32>} : memref<64x512xf32, #tpu.memory_space<vmem>>, vector<16xf32>,
      %broadcast_in_dim3A_199 = arith.constant 19 : i32
      %broadcast_in_dim3A_200 = vector.broadcast %broadcast_in_dim3A_199 : i32 to vector<16xi32>
      %gather3A_201 = tpu.vector_load_idx %arg4[%add3A_29, %broadcast_in_dim3A_200] : memref<512x64xf32, #tpu.memory_space<vmem>>[vector<16xi32>, vector<16xi32>], vector<16xf32>,
      %mul3A_202 = arith.constant 16 : i32
      %mul3A_203 = arith.muli %scan3A_23, %mul3A_202 : i32
      %swap3A_204 = arith.constant 19 : i32
      %swap3A_205 = arith.index_cast %swap3A_204 : i32 to index
      %swap3A_206 = arith.index_cast %mul3A_203 : i32 to index
      %swap3A_207 = tpu.vector_load %arg5[%swap3A_205, %swap3A_206] {strides = array<i32>} : memref<64x512xf32, #tpu.memory_space<vmem>>, vector<16xf32>,
      tpu.vector_store %arg5[%swap3A_205, %swap3A_206], %gather3A_201 {strides = array<i32>} : memref<64x512xf32, #tpu.memory_space<vmem>>, vector<16xf32>,
      %broadcast_in_dim3A_208 = arith.constant 20 : i32
      %broadcast_in_dim3A_209 = vector.broadcast %broadcast_in_dim3A_208 : i32 to vector<16xi32>
      %gather3A_210 = tpu.vector_load_idx %arg4[%add3A_29, %broadcast_in_dim3A_209] : memref<512x64xf32, #tpu.memory_space<vmem>>[vector<16xi32>, vector<16xi32>], vector<16xf32>,
      %mul3A_211 = arith.constant 16 : i32
      %mul3A_212 = arith.muli %scan3A_23, %mul3A_211 : i32
      %swap3A_213 = arith.constant 20 : i32
      %swap3A_214 = arith.index_cast %swap3A_213 : i32 to index
      %swap3A_215 = arith.index_cast %mul3A_212 : i32 to index
      %swap3A_216 = tpu.vector_load %arg5[%swap3A_214, %swap3A_215] {strides = array<i32>} : memref<64x512xf32, #tpu.memory_space<vmem>>, vector<16xf32>,
      tpu.vector_store %arg5[%swap3A_214, %swap3A_215], %gather3A_210 {strides = array<i32>} : memref<64x512xf32, #tpu.memory_space<vmem>>, vector<16xf32>,
      %broadcast_in_dim3A_217 = arith.constant 21 : i32
      %broadcast_in_dim3A_218 = vector.broadcast %broadcast_in_dim3A_217 : i32 to vector<16xi32>
      %gather3A_219 = tpu.vector_load_idx %arg4[%add3A_29, %broadcast_in_dim3A_218] : memref<512x64xf32, #tpu.memory_space<vmem>>[vector<16xi32>, vector<16xi32>], vector<16xf32>,
      %mul3A_220 = arith.constant 16 : i32
      %mul3A_221 = arith.muli %scan3A_23, %mul3A_220 : i32
      %swap3A_222 = arith.constant 21 : i32
      %swap3A_223 = arith.index_cast %swap3A_222 : i32 to index
      %swap3A_224 = arith.index_cast %mul3A_221 : i32 to index
      %swap3A_225 = tpu.vector_load %arg5[%swap3A_223, %swap3A_224] {strides = array<i32>} : memref<64x512xf32, #tpu.memory_space<vmem>>, vector<16xf32>,
      tpu.vector_store %arg5[%swap3A_223, %swap3A_224], %gather3A_219 {strides = array<i32>} : memref<64x512xf32, #tpu.memory_space<vmem>>, vector<16xf32>,
      %broadcast_in_dim3A_226 = arith.constant 22 : i32
      %broadcast_in_dim3A_227 = vector.broadcast %broadcast_in_dim3A_226 : i32 to vector<16xi32>
      %gather3A_228 = tpu.vector_load_idx %arg4[%add3A_29, %broadcast_in_dim3A_227] : memref<512x64xf32, #tpu.memory_space<vmem>>[vector<16xi32>, vector<16xi32>], vector<16xf32>,
      %mul3A_229 = arith.constant 16 : i32
      %mul3A_230 = arith.muli %scan3A_23, %mul3A_229 : i32
      %swap3A_231 = arith.constant 22 : i32
      %swap3A_232 = arith.index_cast %swap3A_231 : i32 to index
      %swap3A_233 = arith.index_cast %mul3A_230 : i32 to index
      %swap3A_234 = tpu.vector_load %arg5[%swap3A_232, %swap3A_233] {strides = array<i32>} : memref<64x512xf32, #tpu.memory_space<vmem>>, vector<16xf32>,
      tpu.vector_store %arg5[%swap3A_232, %swap3A_233], %gather3A_228 {strides = array<i32>} : memref<64x512xf32, #tpu.memory_space<vmem>>, vector<16xf32>,
      %broadcast_in_dim3A_235 = arith.constant 23 : i32
      %broadcast_in_dim3A_236 = vector.broadcast %broadcast_in_dim3A_235 : i32 to vector<16xi32>
      %gather3A_237 = tpu.vector_load_idx %arg4[%add3A_29, %broadcast_in_dim3A_236] : memref<512x64xf32, #tpu.memory_space<vmem>>[vector<16xi32>, vector<16xi32>], vector<16xf32>,
      %mul3A_238 = arith.constant 16 : i32
      %mul3A_239 = arith.muli %scan3A_23, %mul3A_238 : i32
      %swap3A_240 = arith.constant 23 : i32
      %swap3A_241 = arith.index_cast %swap3A_240 : i32 to index
      %swap3A_242 = arith.index_cast %mul3A_239 : i32 to index
      %swap3A_243 = tpu.vector_load %arg5[%swap3A_241, %swap3A_242] {strides = array<i32>} : memref<64x512xf32, #tpu.memory_space<vmem>>, vector<16xf32>,
      tpu.vector_store %arg5[%swap3A_241, %swap3A_242], %gather3A_237 {strides = array<i32>} : memref<64x512xf32, #tpu.memory_space<vmem>>, vector<16xf32>,
      %broadcast_in_dim3A_244 = arith.constant 24 : i32
      %broadcast_in_dim3A_245 = vector.broadcast %broadcast_in_dim3A_244 : i32 to vector<16xi32>
      %gather3A_246 = tpu.vector_load_idx %arg4[%add3A_29, %broadcast_in_dim3A_245] : memref<512x64xf32, #tpu.memory_space<vmem>>[vector<16xi32>, vector<16xi32>], vector<16xf32>,
      %mul3A_247 = arith.constant 16 : i32
      %mul3A_248 = arith.muli %scan3A_23, %mul3A_247 : i32
      %swap3A_249 = arith.constant 24 : i32
      %swap3A_250 = arith.index_cast %swap3A_249 : i32 to index
      %swap3A_251 = arith.index_cast %mul3A_248 : i32 to index
      %swap3A_252 = tpu.vector_load %arg5[%swap3A_250, %swap3A_251] {strides = array<i32>} : memref<64x512xf32, #tpu.memory_space<vmem>>, vector<16xf32>,
      tpu.vector_store %arg5[%swap3A_250, %swap3A_251], %gather3A_246 {strides = array<i32>} : memref<64x512xf32, #tpu.memory_space<vmem>>, vector<16xf32>,
      %broadcast_in_dim3A_253 = arith.constant 25 : i32
      %broadcast_in_dim3A_254 = vector.broadcast %broadcast_in_dim3A_253 : i32 to vector<16xi32>
      %gather3A_255 = tpu.vector_load_idx %arg4[%add3A_29, %broadcast_in_dim3A_254] : memref<512x64xf32, #tpu.memory_space<vmem>>[vector<16xi32>, vector<16xi32>], vector<16xf32>,
      %mul3A_256 = arith.constant 16 : i32
      %mul3A_257 = arith.muli %scan3A_23, %mul3A_256 : i32
      %swap3A_258 = arith.constant 25 : i32
      %swap3A_259 = arith.index_cast %swap3A_258 : i32 to index
      %swap3A_260 = arith.index_cast %mul3A_257 : i32 to index
      %swap3A_261 = tpu.vector_load %arg5[%swap3A_259, %swap3A_260] {strides = array<i32>} : memref<64x512xf32, #tpu.memory_space<vmem>>, vector<16xf32>,
      tpu.vector_store %arg5[%swap3A_259, %swap3A_260], %gather3A_255 {strides = array<i32>} : memref<64x512xf32, #tpu.memory_space<vmem>>, vector<16xf32>,
      %broadcast_in_dim3A_262 = arith.constant 26 : i32
      %broadcast_in_dim3A_263 = vector.broadcast %broadcast_in_dim3A_262 : i32 to vector<16xi32>
      %gather3A_264 = tpu.vector_load_idx %arg4[%add3A_29, %broadcast_in_dim3A_263] : memref<512x64xf32, #tpu.memory_space<vmem>>[vector<16xi32>, vector<16xi32>], vector<16xf32>,
      %mul3A_265 = arith.constant 16 : i32
      %mul3A_266 = arith.muli %scan3A_23, %mul3A_265 : i32
      %swap3A_267 = arith.constant 26 : i32
      %swap3A_268 = arith.index_cast %swap3A_267 : i32 to index
      %swap3A_269 = arith.index_cast %mul3A_266 : i32 to index
      %swap3A_270 = tpu.vector_load %arg5[%swap3A_268, %swap3A_269] {strides = array<i32>} : memref<64x512xf32, #tpu.memory_space<vmem>>, vector<16xf32>,
      tpu.vector_store %arg5[%swap3A_268, %swap3A_269], %gather3A_264 {strides = array<i32>} : memref<64x512xf32, #tpu.memory_space<vmem>>, vector<16xf32>,
      %broadcast_in_dim3A_271 = arith.constant 27 : i32
      %broadcast_in_dim3A_272 = vector.broadcast %broadcast_in_dim3A_271 : i32 to vector<16xi32>
      %gather3A_273 = tpu.vector_load_idx %arg4[%add3A_29, %broadcast_in_dim3A_272] : memref<512x64xf32, #tpu.memory_space<vmem>>[vector<16xi32>, vector<16xi32>], vector<16xf32>,
      %mul3A_274 = arith.constant 16 : i32
      %mul3A_275 = arith.muli %scan3A_23, %mul3A_274 : i32
      %swap3A_276 = arith.constant 27 : i32
      %swap3A_277 = arith.index_cast %swap3A_276 : i32 to index
      %swap3A_278 = arith.index_cast %mul3A_275 : i32 to index
      %swap3A_279 = tpu.vector_load %arg5[%swap3A_277, %swap3A_278] {strides = array<i32>} : memref<64x512xf32, #tpu.memory_space<vmem>>, vector<16xf32>,
      tpu.vector_store %arg5[%swap3A_277, %swap3A_278], %gather3A_273 {strides = array<i32>} : memref<64x512xf32, #tpu.memory_space<vmem>>, vector<16xf32>,
      %broadcast_in_dim3A_280 = arith.constant 28 : i32
      %broadcast_in_dim3A_281 = vector.broadcast %broadcast_in_dim3A_280 : i32 to vector<16xi32>
      %gather3A_282 = tpu.vector_load_idx %arg4[%add3A_29, %broadcast_in_dim3A_281] : memref<512x64xf32, #tpu.memory_space<vmem>>[vector<16xi32>, vector<16xi32>], vector<16xf32>,
      %mul3A_283 = arith.constant 16 : i32
      %mul3A_284 = arith.muli %scan3A_23, %mul3A_283 : i32
      %swap3A_285 = arith.constant 28 : i32
      %swap3A_286 = arith.index_cast %swap3A_285 : i32 to index
      %swap3A_287 = arith.index_cast %mul3A_284 : i32 to index
      %swap3A_288 = tpu.vector_load %arg5[%swap3A_286, %swap3A_287] {strides = array<i32>} : memref<64x512xf32, #tpu.memory_space<vmem>>, vector<16xf32>,
      tpu.vector_store %arg5[%swap3A_286, %swap3A_287], %gather3A_282 {strides = array<i32>} : memref<64x512xf32, #tpu.memory_space<vmem>>, vector<16xf32>,
      %broadcast_in_dim3A_289 = arith.constant 29 : i32
      %broadcast_in_dim3A_290 = vector.broadcast %broadcast_in_dim3A_289 : i32 to vector<16xi32>
      %gather3A_291 = tpu.vector_load_idx %arg4[%add3A_29, %broadcast_in_dim3A_290] : memref<512x64xf32, #tpu.memory_space<vmem>>[vector<16xi32>, vector<16xi32>], vector<16xf32>,
      %mul3A_292 = arith.constant 16 : i32
      %mul3A_293 = arith.muli %scan3A_23, %mul3A_292 : i32
      %swap3A_294 = arith.constant 29 : i32
      %swap3A_295 = arith.index_cast %swap3A_294 : i32 to index
      %swap3A_296 = arith.index_cast %mul3A_293 : i32 to index
      %swap3A_297 = tpu.vector_load %arg5[%swap3A_295, %swap3A_296] {strides = array<i32>} : memref<64x512xf32, #tpu.memory_space<vmem>>, vector<16xf32>,
      tpu.vector_store %arg5[%swap3A_295, %swap3A_296], %gather3A_291 {strides = array<i32>} : memref<64x512xf32, #tpu.memory_space<vmem>>, vector<16xf32>,
      %broadcast_in_dim3A_298 = arith.constant 30 : i32
      %broadcast_in_dim3A_299 = vector.broadcast %broadcast_in_dim3A_298 : i32 to vector<16xi32>
      %gather3A_300 = tpu.vector_load_idx %arg4[%add3A_29, %broadcast_in_dim3A_299] : memref<512x64xf32, #tpu.memory_space<vmem>>[vector<16xi32>, vector<16xi32>], vector<16xf32>,
      %mul3A_301 = arith.constant 16 : i32
      %mul3A_302 = arith.muli %scan3A_23, %mul3A_301 : i32
      %swap3A_303 = arith.constant 30 : i32
      %swap3A_304 = arith.index_cast %swap3A_303 : i32 to index
      %swap3A_305 = arith.index_cast %mul3A_302 : i32 to index
      %swap3A_306 = tpu.vector_load %arg5[%swap3A_304, %swap3A_305] {strides = array<i32>} : memref<64x512xf32, #tpu.memory_space<vmem>>, vector<16xf32>,
      tpu.vector_store %arg5[%swap3A_304, %swap3A_305], %gather3A_300 {strides = array<i32>} : memref<64x512xf32, #tpu.memory_space<vmem>>, vector<16xf32>,
      %broadcast_in_dim3A_307 = arith.constant 31 : i32
      %broadcast_in_dim3A_308 = vector.broadcast %broadcast_in_dim3A_307 : i32 to vector<16xi32>
      %gather3A_309 = tpu.vector_load_idx %arg4[%add3A_29, %broadcast_in_dim3A_308] : memref<512x64xf32, #tpu.memory_space<vmem>>[vector<16xi32>, vector<16xi32>], vector<16xf32>,
      %mul3A_310 = arith.constant 16 : i32
      %mul3A_311 = arith.muli %scan3A_23, %mul3A_310 : i32
      %swap3A_312 = arith.constant 31 : i32
      %swap3A_313 = arith.index_cast %swap3A_312 : i32 to index
      %swap3A_314 = arith.index_cast %mul3A_311 : i32 to index
      %swap3A_315 = tpu.vector_load %arg5[%swap3A_313, %swap3A_314] {strides = array<i32>} : memref<64x512xf32, #tpu.memory_space<vmem>>, vector<16xf32>,
      tpu.vector_store %arg5[%swap3A_313, %swap3A_314], %gather3A_309 {strides = array<i32>} : memref<64x512xf32, #tpu.memory_space<vmem>>, vector<16xf32>,
      %broadcast_in_dim3A_316 = arith.constant 32 : i32
      %broadcast_in_dim3A_317 = vector.broadcast %broadcast_in_dim3A_316 : i32 to vector<16xi32>
      %gather3A_318 = tpu.vector_load_idx %arg4[%add3A_29, %broadcast_in_dim3A_317] : memref<512x64xf32, #tpu.memory_space<vmem>>[vector<16xi32>, vector<16xi32>], vector<16xf32>,
      %mul3A_319 = arith.constant 16 : i32
      %mul3A_320 = arith.muli %scan3A_23, %mul3A_319 : i32
      %swap3A_321 = arith.constant 32 : i32
      %swap3A_322 = arith.index_cast %swap3A_321 : i32 to index
      %swap3A_323 = arith.index_cast %mul3A_320 : i32 to index
      %swap3A_324 = tpu.vector_load %arg5[%swap3A_322, %swap3A_323] {strides = array<i32>} : memref<64x512xf32, #tpu.memory_space<vmem>>, vector<16xf32>,
      tpu.vector_store %arg5[%swap3A_322, %swap3A_323], %gather3A_318 {strides = array<i32>} : memref<64x512xf32, #tpu.memory_space<vmem>>, vector<16xf32>,
      %broadcast_in_dim3A_325 = arith.constant 33 : i32
      %broadcast_in_dim3A_326 = vector.broadcast %broadcast_in_dim3A_325 : i32 to vector<16xi32>
      %gather3A_327 = tpu.vector_load_idx %arg4[%add3A_29, %broadcast_in_dim3A_326] : memref<512x64xf32, #tpu.memory_space<vmem>>[vector<16xi32>, vector<16xi32>], vector<16xf32>,
      %mul3A_328 = arith.constant 16 : i32
      %mul3A_329 = arith.muli %scan3A_23, %mul3A_328 : i32
      %swap3A_330 = arith.constant 33 : i32
      %swap3A_331 = arith.index_cast %swap3A_330 : i32 to index
      %swap3A_332 = arith.index_cast %mul3A_329 : i32 to index
      %swap3A_333 = tpu.vector_load %arg5[%swap3A_331, %swap3A_332] {strides = array<i32>} : memref<64x512xf32, #tpu.memory_space<vmem>>, vector<16xf32>,
      tpu.vector_store %arg5[%swap3A_331, %swap3A_332], %gather3A_327 {strides = array<i32>} : memref<64x512xf32, #tpu.memory_space<vmem>>, vector<16xf32>,
      %broadcast_in_dim3A_334 = arith.constant 34 : i32
      %broadcast_in_dim3A_335 = vector.broadcast %broadcast_in_dim3A_334 : i32 to vector<16xi32>
      %gather3A_336 = tpu.vector_load_idx %arg4[%add3A_29, %broadcast_in_dim3A_335] : memref<512x64xf32, #tpu.memory_space<vmem>>[vector<16xi32>, vector<16xi32>], vector<16xf32>,
      %mul3A_337 = arith.constant 16 : i32
      %mul3A_338 = arith.muli %scan3A_23, %mul3A_337 : i32
      %swap3A_339 = arith.constant 34 : i32
      %swap3A_340 = arith.index_cast %swap3A_339 : i32 to index
      %swap3A_341 = arith.index_cast %mul3A_338 : i32 to index
      %swap3A_342 = tpu.vector_load %arg5[%swap3A_340, %swap3A_341] {strides = array<i32>} : memref<64x512xf32, #tpu.memory_space<vmem>>, vector<16xf32>,
      tpu.vector_store %arg5[%swap3A_340, %swap3A_341], %gather3A_336 {strides = array<i32>} : memref<64x512xf32, #tpu.memory_space<vmem>>, vector<16xf32>,
      %broadcast_in_dim3A_343 = arith.constant 35 : i32
      %broadcast_in_dim3A_344 = vector.broadcast %broadcast_in_dim3A_343 : i32 to vector<16xi32>
      %gather3A_345 = tpu.vector_load_idx %arg4[%add3A_29, %broadcast_in_dim3A_344] : memref<512x64xf32, #tpu.memory_space<vmem>>[vector<16xi32>, vector<16xi32>], vector<16xf32>,
      %mul3A_346 = arith.constant 16 : i32
      %mul3A_347 = arith.muli %scan3A_23, %mul3A_346 : i32
      %swap3A_348 = arith.constant 35 : i32
      %swap3A_349 = arith.index_cast %swap3A_348 : i32 to index
      %swap3A_350 = arith.index_cast %mul3A_347 : i32 to index
      %swap3A_351 = tpu.vector_load %arg5[%swap3A_349, %swap3A_350] {strides = array<i32>} : memref<64x512xf32, #tpu.memory_space<vmem>>, vector<16xf32>,
      tpu.vector_store %arg5[%swap3A_349, %swap3A_350], %gather3A_345 {strides = array<i32>} : memref<64x512xf32, #tpu.memory_space<vmem>>, vector<16xf32>,
      %broadcast_in_dim3A_352 = arith.constant 36 : i32
      %broadcast_in_dim3A_353 = vector.broadcast %broadcast_in_dim3A_352 : i32 to vector<16xi32>
      %gather3A_354 = tpu.vector_load_idx %arg4[%add3A_29, %broadcast_in_dim3A_353] : memref<512x64xf32, #tpu.memory_space<vmem>>[vector<16xi32>, vector<16xi32>], vector<16xf32>,
      %mul3A_355 = arith.constant 16 : i32
      %mul3A_356 = arith.muli %scan3A_23, %mul3A_355 : i32
      %swap3A_357 = arith.constant 36 : i32
      %swap3A_358 = arith.index_cast %swap3A_357 : i32 to index
      %swap3A_359 = arith.index_cast %mul3A_356 : i32 to index
      %swap3A_360 = tpu.vector_load %arg5[%swap3A_358, %swap3A_359] {strides = array<i32>} : memref<64x512xf32, #tpu.memory_space<vmem>>, vector<16xf32>,
      tpu.vector_store %arg5[%swap3A_358, %swap3A_359], %gather3A_354 {strides = array<i32>} : memref<64x512xf32, #tpu.memory_space<vmem>>, vector<16xf32>,
      %broadcast_in_dim3A_361 = arith.constant 37 : i32
      %broadcast_in_dim3A_362 = vector.broadcast %broadcast_in_dim3A_361 : i32 to vector<16xi32>
      %gather3A_363 = tpu.vector_load_idx %arg4[%add3A_29, %broadcast_in_dim3A_362] : memref<512x64xf32, #tpu.memory_space<vmem>>[vector<16xi32>, vector<16xi32>], vector<16xf32>,
      %mul3A_364 = arith.constant 16 : i32
      %mul3A_365 = arith.muli %scan3A_23, %mul3A_364 : i32
      %swap3A_366 = arith.constant 37 : i32
      %swap3A_367 = arith.index_cast %swap3A_366 : i32 to index
      %swap3A_368 = arith.index_cast %mul3A_365 : i32 to index
      %swap3A_369 = tpu.vector_load %arg5[%swap3A_367, %swap3A_368] {strides = array<i32>} : memref<64x512xf32, #tpu.memory_space<vmem>>, vector<16xf32>,
      tpu.vector_store %arg5[%swap3A_367, %swap3A_368], %gather3A_363 {strides = array<i32>} : memref<64x512xf32, #tpu.memory_space<vmem>>, vector<16xf32>,
      %broadcast_in_dim3A_370 = arith.constant 38 : i32
      %broadcast_in_dim3A_371 = vector.broadcast %broadcast_in_dim3A_370 : i32 to vector<16xi32>
      %gather3A_372 = tpu.vector_load_idx %arg4[%add3A_29, %broadcast_in_dim3A_371] : memref<512x64xf32, #tpu.memory_space<vmem>>[vector<16xi32>, vector<16xi32>], vector<16xf32>,
      %mul3A_373 = arith.constant 16 : i32
      %mul3A_374 = arith.muli %scan3A_23, %mul3A_373 : i32
      %swap3A_375 = arith.constant 38 : i32
      %swap3A_376 = arith.index_cast %swap3A_375 : i32 to index
      %swap3A_377 = arith.index_cast %mul3A_374 : i32 to index
      %swap3A_378 = tpu.vector_load %arg5[%swap3A_376, %swap3A_377] {strides = array<i32>} : memref<64x512xf32, #tpu.memory_space<vmem>>, vector<16xf32>,
      tpu.vector_store %arg5[%swap3A_376, %swap3A_377], %gather3A_372 {strides = array<i32>} : memref<64x512xf32, #tpu.memory_space<vmem>>, vector<16xf32>,
      %broadcast_in_dim3A_379 = arith.constant 39 : i32
      %broadcast_in_dim3A_380 = vector.broadcast %broadcast_in_dim3A_379 : i32 to vector<16xi32>
      %gather3A_381 = tpu.vector_load_idx %arg4[%add3A_29, %broadcast_in_dim3A_380] : memref<512x64xf32, #tpu.memory_space<vmem>>[vector<16xi32>, vector<16xi32>], vector<16xf32>,
      %mul3A_382 = arith.constant 16 : i32
      %mul3A_383 = arith.muli %scan3A_23, %mul3A_382 : i32
      %swap3A_384 = arith.constant 39 : i32
      %swap3A_385 = arith.index_cast %swap3A_384 : i32 to index
      %swap3A_386 = arith.index_cast %mul3A_383 : i32 to index
      %swap3A_387 = tpu.vector_load %arg5[%swap3A_385, %swap3A_386] {strides = array<i32>} : memref<64x512xf32, #tpu.memory_space<vmem>>, vector<16xf32>,
      tpu.vector_store %arg5[%swap3A_385, %swap3A_386], %gather3A_381 {strides = array<i32>} : memref<64x512xf32, #tpu.memory_space<vmem>>, vector<16xf32>,
      %broadcast_in_dim3A_388 = arith.constant 40 : i32
      %broadcast_in_dim3A_389 = vector.broadcast %broadcast_in_dim3A_388 : i32 to vector<16xi32>
      %gather3A_390 = tpu.vector_load_idx %arg4[%add3A_29, %broadcast_in_dim3A_389] : memref<512x64xf32, #tpu.memory_space<vmem>>[vector<16xi32>, vector<16xi32>], vector<16xf32>,
      %mul3A_391 = arith.constant 16 : i32
      %mul3A_392 = arith.muli %scan3A_23, %mul3A_391 : i32
      %swap3A_393 = arith.constant 40 : i32
      %swap3A_394 = arith.index_cast %swap3A_393 : i32 to index
      %swap3A_395 = arith.index_cast %mul3A_392 : i32 to index
      %swap3A_396 = tpu.vector_load %arg5[%swap3A_394, %swap3A_395] {strides = array<i32>} : memref<64x512xf32, #tpu.memory_space<vmem>>, vector<16xf32>,
      tpu.vector_store %arg5[%swap3A_394, %swap3A_395], %gather3A_390 {strides = array<i32>} : memref<64x512xf32, #tpu.memory_space<vmem>>, vector<16xf32>,
      %broadcast_in_dim3A_397 = arith.constant 41 : i32
      %broadcast_in_dim3A_398 = vector.broadcast %broadcast_in_dim3A_397 : i32 to vector<16xi32>
      %gather3A_399 = tpu.vector_load_idx %arg4[%add3A_29, %broadcast_in_dim3A_398] : memref<512x64xf32, #tpu.memory_space<vmem>>[vector<16xi32>, vector<16xi32>], vector<16xf32>,
      %mul3A_400 = arith.constant 16 : i32
      %mul3A_401 = arith.muli %scan3A_23, %mul3A_400 : i32
      %swap3A_402 = arith.constant 41 : i32
      %swap3A_403 = arith.index_cast %swap3A_402 : i32 to index
      %swap3A_404 = arith.index_cast %mul3A_401 : i32 to index
      %swap3A_405 = tpu.vector_load %arg5[%swap3A_403, %swap3A_404] {strides = array<i32>} : memref<64x512xf32, #tpu.memory_space<vmem>>, vector<16xf32>,
      tpu.vector_store %arg5[%swap3A_403, %swap3A_404], %gather3A_399 {strides = array<i32>} : memref<64x512xf32, #tpu.memory_space<vmem>>, vector<16xf32>,
      %broadcast_in_dim3A_406 = arith.constant 42 : i32
      %broadcast_in_dim3A_407 = vector.broadcast %broadcast_in_dim3A_406 : i32 to vector<16xi32>
      %gather3A_408 = tpu.vector_load_idx %arg4[%add3A_29, %broadcast_in_dim3A_407] : memref<512x64xf32, #tpu.memory_space<vmem>>[vector<16xi32>, vector<16xi32>], vector<16xf32>,
      %mul3A_409 = arith.constant 16 : i32
      %mul3A_410 = arith.muli %scan3A_23, %mul3A_409 : i32
      %swap3A_411 = arith.constant 42 : i32
      %swap3A_412 = arith.index_cast %swap3A_411 : i32 to index
      %swap3A_413 = arith.index_cast %mul3A_410 : i32 to index
      %swap3A_414 = tpu.vector_load %arg5[%swap3A_412, %swap3A_413] {strides = array<i32>} : memref<64x512xf32, #tpu.memory_space<vmem>>, vector<16xf32>,
      tpu.vector_store %arg5[%swap3A_412, %swap3A_413], %gather3A_408 {strides = array<i32>} : memref<64x512xf32, #tpu.memory_space<vmem>>, vector<16xf32>,
      %broadcast_in_dim3A_415 = arith.constant 43 : i32
      %broadcast_in_dim3A_416 = vector.broadcast %broadcast_in_dim3A_415 : i32 to vector<16xi32>
      %gather3A_417 = tpu.vector_load_idx %arg4[%add3A_29, %broadcast_in_dim3A_416] : memref<512x64xf32, #tpu.memory_space<vmem>>[vector<16xi32>, vector<16xi32>], vector<16xf32>,
      %mul3A_418 = arith.constant 16 : i32
      %mul3A_419 = arith.muli %scan3A_23, %mul3A_418 : i32
      %swap3A_420 = arith.constant 43 : i32
      %swap3A_421 = arith.index_cast %swap3A_420 : i32 to index
      %swap3A_422 = arith.index_cast %mul3A_419 : i32 to index
      %swap3A_423 = tpu.vector_load %arg5[%swap3A_421, %swap3A_422] {strides = array<i32>} : memref<64x512xf32, #tpu.memory_space<vmem>>, vector<16xf32>,
      tpu.vector_store %arg5[%swap3A_421, %swap3A_422], %gather3A_417 {strides = array<i32>} : memref<64x512xf32, #tpu.memory_space<vmem>>, vector<16xf32>,
      %broadcast_in_dim3A_424 = arith.constant 44 : i32
      %broadcast_in_dim3A_425 = vector.broadcast %broadcast_in_dim3A_424 : i32 to vector<16xi32>
      %gather3A_426 = tpu.vector_load_idx %arg4[%add3A_29, %broadcast_in_dim3A_425] : memref<512x64xf32, #tpu.memory_space<vmem>>[vector<16xi32>, vector<16xi32>], vector<16xf32>,
      %mul3A_427 = arith.constant 16 : i32
      %mul3A_428 = arith.muli %scan3A_23, %mul3A_427 : i32
      %swap3A_429 = arith.constant 44 : i32
      %swap3A_430 = arith.index_cast %swap3A_429 : i32 to index
      %swap3A_431 = arith.index_cast %mul3A_428 : i32 to index
      %swap3A_432 = tpu.vector_load %arg5[%swap3A_430, %swap3A_431] {strides = array<i32>} : memref<64x512xf32, #tpu.memory_space<vmem>>, vector<16xf32>,
      tpu.vector_store %arg5[%swap3A_430, %swap3A_431], %gather3A_426 {strides = array<i32>} : memref<64x512xf32, #tpu.memory_space<vmem>>, vector<16xf32>,
      %broadcast_in_dim3A_433 = arith.constant 45 : i32
      %broadcast_in_dim3A_434 = vector.broadcast %broadcast_in_dim3A_433 : i32 to vector<16xi32>
      %gather3A_435 = tpu.vector_load_idx %arg4[%add3A_29, %broadcast_in_dim3A_434] : memref<512x64xf32, #tpu.memory_space<vmem>>[vector<16xi32>, vector<16xi32>], vector<16xf32>,
      %mul3A_436 = arith.constant 16 : i32
      %mul3A_437 = arith.muli %scan3A_23, %mul3A_436 : i32
      %swap3A_438 = arith.constant 45 : i32
      %swap3A_439 = arith.index_cast %swap3A_438 : i32 to index
      %swap3A_440 = arith.index_cast %mul3A_437 : i32 to index
      %swap3A_441 = tpu.vector_load %arg5[%swap3A_439, %swap3A_440] {strides = array<i32>} : memref<64x512xf32, #tpu.memory_space<vmem>>, vector<16xf32>,
      tpu.vector_store %arg5[%swap3A_439, %swap3A_440], %gather3A_435 {strides = array<i32>} : memref<64x512xf32, #tpu.memory_space<vmem>>, vector<16xf32>,
      %broadcast_in_dim3A_442 = arith.constant 46 : i32
      %broadcast_in_dim3A_443 = vector.broadcast %broadcast_in_dim3A_442 : i32 to vector<16xi32>
      %gather3A_444 = tpu.vector_load_idx %arg4[%add3A_29, %broadcast_in_dim3A_443] : memref<512x64xf32, #tpu.memory_space<vmem>>[vector<16xi32>, vector<16xi32>], vector<16xf32>,
      %mul3A_445 = arith.constant 16 : i32
      %mul3A_446 = arith.muli %scan3A_23, %mul3A_445 : i32
      %swap3A_447 = arith.constant 46 : i32
      %swap3A_448 = arith.index_cast %swap3A_447 : i32 to index
      %swap3A_449 = arith.index_cast %mul3A_446 : i32 to index
      %swap3A_450 = tpu.vector_load %arg5[%swap3A_448, %swap3A_449] {strides = array<i32>} : memref<64x512xf32, #tpu.memory_space<vmem>>, vector<16xf32>,
      tpu.vector_store %arg5[%swap3A_448, %swap3A_449], %gather3A_444 {strides = array<i32>} : memref<64x512xf32, #tpu.memory_space<vmem>>, vector<16xf32>,
      %broadcast_in_dim3A_451 = arith.constant 47 : i32
      %broadcast_in_dim3A_452 = vector.broadcast %broadcast_in_dim3A_451 : i32 to vector<16xi32>
      %gather3A_453 = tpu.vector_load_idx %arg4[%add3A_29, %broadcast_in_dim3A_452] : memref<512x64xf32, #tpu.memory_space<vmem>>[vector<16xi32>, vector<16xi32>], vector<16xf32>,
      %mul3A_454 = arith.constant 16 : i32
      %mul3A_455 = arith.muli %scan3A_23, %mul3A_454 : i32
      %swap3A_456 = arith.constant 47 : i32
      %swap3A_457 = arith.index_cast %swap3A_456 : i32 to index
      %swap3A_458 = arith.index_cast %mul3A_455 : i32 to index
      %swap3A_459 = tpu.vector_load %arg5[%swap3A_457, %swap3A_458] {strides = array<i32>} : memref<64x512xf32, #tpu.memory_space<vmem>>, vector<16xf32>,
      tpu.vector_store %arg5[%swap3A_457, %swap3A_458], %gather3A_453 {strides = array<i32>} : memref<64x512xf32, #tpu.memory_space<vmem>>, vector<16xf32>,
      %broadcast_in_dim3A_460 = arith.constant 48 : i32
      %broadcast_in_dim3A_461 = vector.broadcast %broadcast_in_dim3A_460 : i32 to vector<16xi32>
      %gather3A_462 = tpu.vector_load_idx %arg4[%add3A_29, %broadcast_in_dim3A_461] : memref<512x64xf32, #tpu.memory_space<vmem>>[vector<16xi32>, vector<16xi32>], vector<16xf32>,
      %mul3A_463 = arith.constant 16 : i32
      %mul3A_464 = arith.muli %scan3A_23, %mul3A_463 : i32
      %swap3A_465 = arith.constant 48 : i32
      %swap3A_466 = arith.index_cast %swap3A_465 : i32 to index
      %swap3A_467 = arith.index_cast %mul3A_464 : i32 to index
      %swap3A_468 = tpu.vector_load %arg5[%swap3A_466, %swap3A_467] {strides = array<i32>} : memref<64x512xf32, #tpu.memory_space<vmem>>, vector<16xf32>,
      tpu.vector_store %arg5[%swap3A_466, %swap3A_467], %gather3A_462 {strides = array<i32>} : memref<64x512xf32, #tpu.memory_space<vmem>>, vector<16xf32>,
      %broadcast_in_dim3A_469 = arith.constant 49 : i32
      %broadcast_in_dim3A_470 = vector.broadcast %broadcast_in_dim3A_469 : i32 to vector<16xi32>
      %gather3A_471 = tpu.vector_load_idx %arg4[%add3A_29, %broadcast_in_dim3A_470] : memref<512x64xf32, #tpu.memory_space<vmem>>[vector<16xi32>, vector<16xi32>], vector<16xf32>,
      %mul3A_472 = arith.constant 16 : i32
      %mul3A_473 = arith.muli %scan3A_23, %mul3A_472 : i32
      %swap3A_474 = arith.constant 49 : i32
      %swap3A_475 = arith.index_cast %swap3A_474 : i32 to index
      %swap3A_476 = arith.index_cast %mul3A_473 : i32 to index
      %swap3A_477 = tpu.vector_load %arg5[%swap3A_475, %swap3A_476] {strides = array<i32>} : memref<64x512xf32, #tpu.memory_space<vmem>>, vector<16xf32>,
      tpu.vector_store %arg5[%swap3A_475, %swap3A_476], %gather3A_471 {strides = array<i32>} : memref<64x512xf32, #tpu.memory_space<vmem>>, vector<16xf32>,
      %broadcast_in_dim3A_478 = arith.constant 50 : i32
      %broadcast_in_dim3A_479 = vector.broadcast %broadcast_in_dim3A_478 : i32 to vector<16xi32>
      %gather3A_480 = tpu.vector_load_idx %arg4[%add3A_29, %broadcast_in_dim3A_479] : memref<512x64xf32, #tpu.memory_space<vmem>>[vector<16xi32>, vector<16xi32>], vector<16xf32>,
      %mul3A_481 = arith.constant 16 : i32
      %mul3A_482 = arith.muli %scan3A_23, %mul3A_481 : i32
      %swap3A_483 = arith.constant 50 : i32
      %swap3A_484 = arith.index_cast %swap3A_483 : i32 to index
      %swap3A_485 = arith.index_cast %mul3A_482 : i32 to index
      %swap3A_486 = tpu.vector_load %arg5[%swap3A_484, %swap3A_485] {strides = array<i32>} : memref<64x512xf32, #tpu.memory_space<vmem>>, vector<16xf32>,
      tpu.vector_store %arg5[%swap3A_484, %swap3A_485], %gather3A_480 {strides = array<i32>} : memref<64x512xf32, #tpu.memory_space<vmem>>, vector<16xf32>,
      %broadcast_in_dim3A_487 = arith.constant 51 : i32
      %broadcast_in_dim3A_488 = vector.broadcast %broadcast_in_dim3A_487 : i32 to vector<16xi32>
      %gather3A_489 = tpu.vector_load_idx %arg4[%add3A_29, %broadcast_in_dim3A_488] : memref<512x64xf32, #tpu.memory_space<vmem>>[vector<16xi32>, vector<16xi32>], vector<16xf32>,
      %mul3A_490 = arith.constant 16 : i32
      %mul3A_491 = arith.muli %scan3A_23, %mul3A_490 : i32
      %swap3A_492 = arith.constant 51 : i32
      %swap3A_493 = arith.index_cast %swap3A_492 : i32 to index
      %swap3A_494 = arith.index_cast %mul3A_491 : i32 to index
      %swap3A_495 = tpu.vector_load %arg5[%swap3A_493, %swap3A_494] {strides = array<i32>} : memref<64x512xf32, #tpu.memory_space<vmem>>, vector<16xf32>,
      tpu.vector_store %arg5[%swap3A_493, %swap3A_494], %gather3A_489 {strides = array<i32>} : memref<64x512xf32, #tpu.memory_space<vmem>>, vector<16xf32>,
      %broadcast_in_dim3A_496 = arith.constant 52 : i32
      %broadcast_in_dim3A_497 = vector.broadcast %broadcast_in_dim3A_496 : i32 to vector<16xi32>
      %gather3A_498 = tpu.vector_load_idx %arg4[%add3A_29, %broadcast_in_dim3A_497] : memref<512x64xf32, #tpu.memory_space<vmem>>[vector<16xi32>, vector<16xi32>], vector<16xf32>,
      %mul3A_499 = arith.constant 16 : i32
      %mul3A_500 = arith.muli %scan3A_23, %mul3A_499 : i32
      %swap3A_501 = arith.constant 52 : i32
      %swap3A_502 = arith.index_cast %swap3A_501 : i32 to index
      %swap3A_503 = arith.index_cast %mul3A_500 : i32 to index
      %swap3A_504 = tpu.vector_load %arg5[%swap3A_502, %swap3A_503] {strides = array<i32>} : memref<64x512xf32, #tpu.memory_space<vmem>>, vector<16xf32>,
      tpu.vector_store %arg5[%swap3A_502, %swap3A_503], %gather3A_498 {strides = array<i32>} : memref<64x512xf32, #tpu.memory_space<vmem>>, vector<16xf32>,
      %broadcast_in_dim3A_505 = arith.constant 53 : i32
      %broadcast_in_dim3A_506 = vector.broadcast %broadcast_in_dim3A_505 : i32 to vector<16xi32>
      %gather3A_507 = tpu.vector_load_idx %arg4[%add3A_29, %broadcast_in_dim3A_506] : memref<512x64xf32, #tpu.memory_space<vmem>>[vector<16xi32>, vector<16xi32>], vector<16xf32>,
      %mul3A_508 = arith.constant 16 : i32
      %mul3A_509 = arith.muli %scan3A_23, %mul3A_508 : i32
      %swap3A_510 = arith.constant 53 : i32
      %swap3A_511 = arith.index_cast %swap3A_510 : i32 to index
      %swap3A_512 = arith.index_cast %mul3A_509 : i32 to index
      %swap3A_513 = tpu.vector_load %arg5[%swap3A_511, %swap3A_512] {strides = array<i32>} : memref<64x512xf32, #tpu.memory_space<vmem>>, vector<16xf32>,
      tpu.vector_store %arg5[%swap3A_511, %swap3A_512], %gather3A_507 {strides = array<i32>} : memref<64x512xf32, #tpu.memory_space<vmem>>, vector<16xf32>,
      %broadcast_in_dim3A_514 = arith.constant 54 : i32
      %broadcast_in_dim3A_515 = vector.broadcast %broadcast_in_dim3A_514 : i32 to vector<16xi32>
      %gather3A_516 = tpu.vector_load_idx %arg4[%add3A_29, %broadcast_in_dim3A_515] : memref<512x64xf32, #tpu.memory_space<vmem>>[vector<16xi32>, vector<16xi32>], vector<16xf32>,
      %mul3A_517 = arith.constant 16 : i32
      %mul3A_518 = arith.muli %scan3A_23, %mul3A_517 : i32
      %swap3A_519 = arith.constant 54 : i32
      %swap3A_520 = arith.index_cast %swap3A_519 : i32 to index
      %swap3A_521 = arith.index_cast %mul3A_518 : i32 to index
      %swap3A_522 = tpu.vector_load %arg5[%swap3A_520, %swap3A_521] {strides = array<i32>} : memref<64x512xf32, #tpu.memory_space<vmem>>, vector<16xf32>,
      tpu.vector_store %arg5[%swap3A_520, %swap3A_521], %gather3A_516 {strides = array<i32>} : memref<64x512xf32, #tpu.memory_space<vmem>>, vector<16xf32>,
      %broadcast_in_dim3A_523 = arith.constant 55 : i32
      %broadcast_in_dim3A_524 = vector.broadcast %broadcast_in_dim3A_523 : i32 to vector<16xi32>
      %gather3A_525 = tpu.vector_load_idx %arg4[%add3A_29, %broadcast_in_dim3A_524] : memref<512x64xf32, #tpu.memory_space<vmem>>[vector<16xi32>, vector<16xi32>], vector<16xf32>,
      %mul3A_526 = arith.constant 16 : i32
      %mul3A_527 = arith.muli %scan3A_23, %mul3A_526 : i32
      %swap3A_528 = arith.constant 55 : i32
      %swap3A_529 = arith.index_cast %swap3A_528 : i32 to index
      %swap3A_530 = arith.index_cast %mul3A_527 : i32 to index
      %swap3A_531 = tpu.vector_load %arg5[%swap3A_529, %swap3A_530] {strides = array<i32>} : memref<64x512xf32, #tpu.memory_space<vmem>>, vector<16xf32>,
      tpu.vector_store %arg5[%swap3A_529, %swap3A_530], %gather3A_525 {strides = array<i32>} : memref<64x512xf32, #tpu.memory_space<vmem>>, vector<16xf32>,
      %broadcast_in_dim3A_532 = arith.constant 56 : i32
      %broadcast_in_dim3A_533 = vector.broadcast %broadcast_in_dim3A_532 : i32 to vector<16xi32>
      %gather3A_534 = tpu.vector_load_idx %arg4[%add3A_29, %broadcast_in_dim3A_533] : memref<512x64xf32, #tpu.memory_space<vmem>>[vector<16xi32>, vector<16xi32>], vector<16xf32>,
      %mul3A_535 = arith.constant 16 : i32
      %mul3A_536 = arith.muli %scan3A_23, %mul3A_535 : i32
      %swap3A_537 = arith.constant 56 : i32
      %swap3A_538 = arith.index_cast %swap3A_537 : i32 to index
      %swap3A_539 = arith.index_cast %mul3A_536 : i32 to index
      %swap3A_540 = tpu.vector_load %arg5[%swap3A_538, %swap3A_539] {strides = array<i32>} : memref<64x512xf32, #tpu.memory_space<vmem>>, vector<16xf32>,
      tpu.vector_store %arg5[%swap3A_538, %swap3A_539], %gather3A_534 {strides = array<i32>} : memref<64x512xf32, #tpu.memory_space<vmem>>, vector<16xf32>,
      %broadcast_in_dim3A_541 = arith.constant 57 : i32
      %broadcast_in_dim3A_542 = vector.broadcast %broadcast_in_dim3A_541 : i32 to vector<16xi32>
      %gather3A_543 = tpu.vector_load_idx %arg4[%add3A_29, %broadcast_in_dim3A_542] : memref<512x64xf32, #tpu.memory_space<vmem>>[vector<16xi32>, vector<16xi32>], vector<16xf32>,
      %mul3A_544 = arith.constant 16 : i32
      %mul3A_545 = arith.muli %scan3A_23, %mul3A_544 : i32
      %swap3A_546 = arith.constant 57 : i32
      %swap3A_547 = arith.index_cast %swap3A_546 : i32 to index
      %swap3A_548 = arith.index_cast %mul3A_545 : i32 to index
      %swap3A_549 = tpu.vector_load %arg5[%swap3A_547, %swap3A_548] {strides = array<i32>} : memref<64x512xf32, #tpu.memory_space<vmem>>, vector<16xf32>,
      tpu.vector_store %arg5[%swap3A_547, %swap3A_548], %gather3A_543 {strides = array<i32>} : memref<64x512xf32, #tpu.memory_space<vmem>>, vector<16xf32>,
      %broadcast_in_dim3A_550 = arith.constant 58 : i32
      %broadcast_in_dim3A_551 = vector.broadcast %broadcast_in_dim3A_550 : i32 to vector<16xi32>
      %gather3A_552 = tpu.vector_load_idx %arg4[%add3A_29, %broadcast_in_dim3A_551] : memref<512x64xf32, #tpu.memory_space<vmem>>[vector<16xi32>, vector<16xi32>], vector<16xf32>,
      %mul3A_553 = arith.constant 16 : i32
      %mul3A_554 = arith.muli %scan3A_23, %mul3A_553 : i32
      %swap3A_555 = arith.constant 58 : i32
      %swap3A_556 = arith.index_cast %swap3A_555 : i32 to index
      %swap3A_557 = arith.index_cast %mul3A_554 : i32 to index
      %swap3A_558 = tpu.vector_load %arg5[%swap3A_556, %swap3A_557] {strides = array<i32>} : memref<64x512xf32, #tpu.memory_space<vmem>>, vector<16xf32>,
      tpu.vector_store %arg5[%swap3A_556, %swap3A_557], %gather3A_552 {strides = array<i32>} : memref<64x512xf32, #tpu.memory_space<vmem>>, vector<16xf32>,
      %broadcast_in_dim3A_559 = arith.constant 59 : i32
      %broadcast_in_dim3A_560 = vector.broadcast %broadcast_in_dim3A_559 : i32 to vector<16xi32>
      %gather3A_561 = tpu.vector_load_idx %arg4[%add3A_29, %broadcast_in_dim3A_560] : memref<512x64xf32, #tpu.memory_space<vmem>>[vector<16xi32>, vector<16xi32>], vector<16xf32>,
      %mul3A_562 = arith.constant 16 : i32
      %mul3A_563 = arith.muli %scan3A_23, %mul3A_562 : i32
      %swap3A_564 = arith.constant 59 : i32
      %swap3A_565 = arith.index_cast %swap3A_564 : i32 to index
      %swap3A_566 = arith.index_cast %mul3A_563 : i32 to index
      %swap3A_567 = tpu.vector_load %arg5[%swap3A_565, %swap3A_566] {strides = array<i32>} : memref<64x512xf32, #tpu.memory_space<vmem>>, vector<16xf32>,
      tpu.vector_store %arg5[%swap3A_565, %swap3A_566], %gather3A_561 {strides = array<i32>} : memref<64x512xf32, #tpu.memory_space<vmem>>, vector<16xf32>,
      %broadcast_in_dim3A_568 = arith.constant 60 : i32
      %broadcast_in_dim3A_569 = vector.broadcast %broadcast_in_dim3A_568 : i32 to vector<16xi32>
      %gather3A_570 = tpu.vector_load_idx %arg4[%add3A_29, %broadcast_in_dim3A_569] : memref<512x64xf32, #tpu.memory_space<vmem>>[vector<16xi32>, vector<16xi32>], vector<16xf32>,
      %mul3A_571 = arith.constant 16 : i32
      %mul3A_572 = arith.muli %scan3A_23, %mul3A_571 : i32
      %swap3A_573 = arith.constant 60 : i32
      %swap3A_574 = arith.index_cast %swap3A_573 : i32 to index
      %swap3A_575 = arith.index_cast %mul3A_572 : i32 to index
      %swap3A_576 = tpu.vector_load %arg5[%swap3A_574, %swap3A_575] {strides = array<i32>} : memref<64x512xf32, #tpu.memory_space<vmem>>, vector<16xf32>,
      tpu.vector_store %arg5[%swap3A_574, %swap3A_575], %gather3A_570 {strides = array<i32>} : memref<64x512xf32, #tpu.memory_space<vmem>>, vector<16xf32>,
      %broadcast_in_dim3A_577 = arith.constant 61 : i32
      %broadcast_in_dim3A_578 = vector.broadcast %broadcast_in_dim3A_577 : i32 to vector<16xi32>
      %gather3A_579 = tpu.vector_load_idx %arg4[%add3A_29, %broadcast_in_dim3A_578] : memref<512x64xf32, #tpu.memory_space<vmem>>[vector<16xi32>, vector<16xi32>], vector<16xf32>,
      %mul3A_580 = arith.constant 16 : i32
      %mul3A_581 = arith.muli %scan3A_23, %mul3A_580 : i32
      %swap3A_582 = arith.constant 61 : i32
      %swap3A_583 = arith.index_cast %swap3A_582 : i32 to index
      %swap3A_584 = arith.index_cast %mul3A_581 : i32 to index
      %swap3A_585 = tpu.vector_load %arg5[%swap3A_583, %swap3A_584] {strides = array<i32>} : memref<64x512xf32, #tpu.memory_space<vmem>>, vector<16xf32>,
      tpu.vector_store %arg5[%swap3A_583, %swap3A_584], %gather3A_579 {strides = array<i32>} : memref<64x512xf32, #tpu.memory_space<vmem>>, vector<16xf32>,
      %broadcast_in_dim3A_586 = arith.constant 62 : i32
      %broadcast_in_dim3A_587 = vector.broadcast %broadcast_in_dim3A_586 : i32 to vector<16xi32>
      %gather3A_588 = tpu.vector_load_idx %arg4[%add3A_29, %broadcast_in_dim3A_587] : memref<512x64xf32, #tpu.memory_space<vmem>>[vector<16xi32>, vector<16xi32>], vector<16xf32>,
      %mul3A_589 = arith.constant 16 : i32
      %mul3A_590 = arith.muli %scan3A_23, %mul3A_589 : i32
      %swap3A_591 = arith.constant 62 : i32
      %swap3A_592 = arith.index_cast %swap3A_591 : i32 to index
      %swap3A_593 = arith.index_cast %mul3A_590 : i32 to index
      %swap3A_594 = tpu.vector_load %arg5[%swap3A_592, %swap3A_593] {strides = array<i32>} : memref<64x512xf32, #tpu.memory_space<vmem>>, vector<16xf32>,
      tpu.vector_store %arg5[%swap3A_592, %swap3A_593], %gather3A_588 {strides = array<i32>} : memref<64x512xf32, #tpu.memory_space<vmem>>, vector<16xf32>,
      %broadcast_in_dim3A_595 = arith.constant 63 : i32
      %broadcast_in_dim3A_596 = vector.broadcast %broadcast_in_dim3A_595 : i32 to vector<16xi32>
      %gather3A_597 = tpu.vector_load_idx %arg4[%add3A_29, %broadcast_in_dim3A_596] : memref<512x64xf32, #tpu.memory_space<vmem>>[vector<16xi32>, vector<16xi32>], vector<16xf32>,
      %mul3A_598 = arith.constant 16 : i32
      %mul3A_599 = arith.muli %scan3A_23, %mul3A_598 : i32
      %swap3A_600 = arith.constant 63 : i32
      %swap3A_601 = arith.index_cast %swap3A_600 : i32 to index
      %swap3A_602 = arith.index_cast %mul3A_599 : i32 to index
      %swap3A_603 = tpu.vector_load %arg5[%swap3A_601, %swap3A_602] {strides = array<i32>} : memref<64x512xf32, #tpu.memory_space<vmem>>, vector<16xf32>,
      tpu.vector_store %arg5[%swap3A_601, %swap3A_602], %gather3A_597 {strides = array<i32>} : memref<64x512xf32, #tpu.memory_space<vmem>>, vector<16xf32>,
      %scan3A_604 = arith.constant 0 : i32
      scf.yield %scan3A_604 : i32
    }
    %scan3A_22 = arith.constant 32 : i32
    "tpu.region"() ({
      %run_scoped3A = tpu.sem_alloc : memref<!tpu.dma_semaphore, #tpu.memory_space<semaphore_mem>>
      %dma_start3A = arith.constant 0 : i32
      %dma_start3A_23 = tpu.memref_slice %arg3[%dma_start3A, %add3A_15] : memref<64x32768xf32, #tpu.memory_space<hbm>> -> memref<64x512xf32, #tpu.memory_space<hbm>>
      %dma_start3A_24 = arith.constant 0 : i32
      %dma_start3A_25 = tpu.memref_slice %arg3[%dma_start3A_24, %add3A_15] : memref<64x32768xf32, #tpu.memory_space<hbm>> -> memref<64x512xf32, #tpu.memory_space<hbm>>
      tpu.enqueue_dma source(%arg5 : memref<64x512xf32, #tpu.memory_space<vmem>>) target(%dma_start3A_25 : memref<64x512xf32, #tpu.memory_space<hbm>>) target_semaphore(%run_scoped3A : memref<!tpu.dma_semaphore, #tpu.memory_space<semaphore_mem>>)
      %dma_wait3A = arith.constant 0 : i32
      %dma_wait3A_26 = tpu.memref_slice %arg3[%dma_wait3A, %add3A_15] : memref<64x32768xf32, #tpu.memory_space<hbm>> -> memref<64x512xf32, #tpu.memory_space<hbm>>
      %dma_wait3A_27 = arith.constant 0 : i32
      %dma_wait3A_28 = tpu.memref_slice %arg3[%dma_wait3A_27, %add3A_15] : memref<64x32768xf32, #tpu.memory_space<hbm>> -> memref<64x512xf32, #tpu.memory_space<hbm>>
      tpu.wait_dma2 semaphore(%run_scoped3A : memref<!tpu.dma_semaphore, #tpu.memory_space<semaphore_mem>>) src(%arg5 : memref<64x512xf32, #tpu.memory_space<vmem>>) dst(%dma_wait3A_28 : memref<64x512xf32, #tpu.memory_space<hbm>>)
      tpu.yield
    }) : () -> ()
    return
  }
}

module attributes {stable_mosaic.version = 14 : i64} {
  func.func @_seg_softmax_body(%arg0: memref<64x32768xf32, #tpu.memory_space<vmem>>, %arg1: memref<1x32768xi32, #tpu.memory_space<vmem>>, %arg2: memref<64x4xf32, #tpu.memory_space<vmem>>, %arg3: memref<4x32768xf32, #tpu.memory_space<vmem>>) attributes {dimension_semantics = [], scalar_prefetch = 0 : i64, scratch_operands = 0 : i64, tpu.core_type = #tpu.core_type<tc>} {
    %get3A = arith.constant 0 : index
    %get3A_0 = arith.constant 0 : index
    %get3A_1 = vector.load %arg0[%get3A, %get3A_0] : memref<64x32768xf32, #tpu.memory_space<vmem>>, vector<64x32768xf32>
    %get3A_2 = arith.constant 0 : index
    %get3A_3 = arith.constant 0 : index
    %get3A_4 = vector.load %arg1[%get3A_2, %get3A_3] : memref<1x32768xi32, #tpu.memory_space<vmem>>, vector<1x32768xi32>
    %get3A_5 = arith.constant 0 : index
    %get3A_6 = arith.constant 0 : index
    %get3A_7 = vector.load %arg2[%get3A_5, %get3A_6] : memref<64x4xf32, #tpu.memory_space<vmem>>, vector<64x4xf32>
    %dot_general3A = arith.constant dense<0.000000e+00> : vector<4x32768xf32>
    %dot_general3A_8 = tpu.matmul %get3A_7, %get3A_1, %dot_general3A {dimension_numbers = #tpu.dot_dimension_numbers<[0], [0], [1], [1], [0, 1, 1, 1], [], []>, transpose_lhs_hint = false} : vector<64x4xf32>, vector<64x32768xf32>, vector<4x32768xf32> -> vector<4x32768xf32>
    %reduce_max3A = arith.constant dense<0xFF800000> : vector<4xf32>
    %reduce_max3A_9 = vector.multi_reduction <maximumf>, %dot_general3A_8, %reduce_max3A [1] : vector<4x32768xf32> to vector<4xf32>
    %broadcast_in_dim3A = vector.shape_cast %reduce_max3A_9 : vector<4xf32> to vector<4x1xf32>
    %sub3A = vector.broadcast %broadcast_in_dim3A : vector<4x1xf32> to vector<4x32768xf32>
    %sub3A_10 = arith.subf %dot_general3A_8, %sub3A : vector<4x32768xf32>
    %exp3A = math.exp %sub3A_10 : vector<4x32768xf32>
    %iota3A = tpu.iota {dimensions = array<i32: 0>} : vector<16x1xi32>
    %eq3A = vector.broadcast %get3A_4 : vector<1x32768xi32> to vector<16x32768xi32>
    %eq3A_11 = vector.broadcast %iota3A : vector<16x1xi32> to vector<16x32768xi32>
    %eq3A_12 = arith.cmpi eq, %eq3A, %eq3A_11 : vector<16x32768xi32>
    %convert_element_type3A = arith.extui %eq3A_12 : vector<16x32768xi1> to vector<16x32768xi32>
    %convert_element_type3A_13 = arith.sitofp %convert_element_type3A : vector<16x32768xi32> to vector<16x32768xf32>
    %dot_general3A_14 = arith.constant dense<0.000000e+00> : vector<4x16xf32>
    %dot_general3A_15 = tpu.matmul %exp3A, %convert_element_type3A_13, %dot_general3A_14 {dimension_numbers = #tpu.dot_dimension_numbers<[1], [1], [0], [0], [0, 0, 1, 0], [], []>, transpose_lhs_hint = false} : vector<4x32768xf32>, vector<16x32768xf32>, vector<4x16xf32> -> vector<4x16xf32>
    %dot_general3A_16 = arith.constant dense<0.000000e+00> : vector<4x32768xf32>
    %dot_general3A_17 = tpu.matmul %dot_general3A_15, %convert_element_type3A_13, %dot_general3A_16 {dimension_numbers = #tpu.dot_dimension_numbers<[1], [0], [0], [1], [0, 0, 1, 1], [], []>, transpose_lhs_hint = false} : vector<4x16xf32>, vector<16x32768xf32>, vector<4x32768xf32> -> vector<4x32768xf32>
    %div3A = arith.divf %exp3A, %dot_general3A_17 : vector<4x32768xf32>
    %swap3A = arith.constant 0 : index
    %swap3A_18 = arith.constant 0 : index
    %swap3A_19 = vector.load %arg3[%swap3A, %swap3A_18] : memref<4x32768xf32, #tpu.memory_space<vmem>>, vector<4x32768xf32>
    tpu.vector_store %arg3[%swap3A, %swap3A_18], %div3A {strides = array<i32>} : memref<4x32768xf32, #tpu.memory_space<vmem>>, vector<4x32768xf32>,
    return
  }
}

</mosaic_0001>

<sc_bundles>
// kernel: kernel.4.cloned.1.call-start
scs
__scs_entry_jumppad:
0x0: {  	(pc) =	sbr.rel $0x88, $3  }
0x1: {  	(tag) =	ssettag $0x0;
	lr =	simm.s32 $0x1  }
0x2: {  	[smem:$0x3F9D] =	sst lr;
	_ =	strace $0xD0000000  }
0x3: {  	_ = 	snop  }
0x4: {  	_ = 	snop  }
0x5: {  	_ = 	snop  }
0x6: {  	_ = 	snop  }
0x7: {  	_ = 	snop  }
__scs_overlays_trampoline_lowered:
0x8: {  	[smem:$0x3FAC] =	sst s0  }
0x9: {  	[smem:$0x3FAD] =	sst s1  }
0xa: {  	[smem:$0x3FAE] =	sst s2  }
0xb: {  	[smem:$0x3FAF] =	sst s3  }
0xc: {  	[smem:$0x3FB0] =	sst s4  }
0xd: {  	[smem:$0x3FB1] =	sst s5  }
0xe: {  	[smem:$0x3FB2] =	sst s6  }
0xf: {  	[smem:$0x3FB3] =	sst s7  }
0x10: {  	[smem:$0x3FB4] =	sst s8  }
0x11: {  	[smem:$0x3FB5] =	sst s9;
	s0 =	simm.s32 @!p0 $0x0  }
0x12: {  	s1 =	sld [smem:$0x3F9B];
	s0 =	simm.s32 @p0 $0x1  }
0x13: {  	[smem:$0x3FB6] =	sst s0;
	s0 =	simm.s32 @!p1 $0x0  }
0x14: {  	s2 =	sld [smem:$0x3F9A];
	s0 =	simm.s32 @p1 $0x1  }
0x15: {  	[smem:$0x3FB7] =	sst s0;
	s0 =	simm.s32 @!p2 $0x0  }
0x16: {  	s3 =	sld [smem:$0x3FDB];
	s0 =	simm.s32 @p2 $0x1  }
0x17: {  	s4 =	simm.s32 $0x1BF5;
	[smem:$0x3FB9] =	sst s0  }
0x18: {  	s0 =	sld [smem:$0x3F9C];
	_ =	swait.ge [sflag:s4], $0x0  }
0x19: {  	s7 =	sld [smem:$0x3F9D]  }
0x1a: {  	s8 =	sadd.s32 $0xFFFFE003, lr  }
0x1b: {  	s9 =	sadd.s32 $0xFFFFFEF7, lr;
	s5 =	simm.s32 $0xFFFFFFFF;
	p2 =	slt.u32 s8, $0xFFFFF086  }
0x1c: {  	p1 =	slt.u32 s9, $0xF7A;
	s5 =	simm.s32 @!p2 $0x0  }
0x1d: {  	s5 =	simm.s32 @p1 $0x1;
	p0 =	seq.s32 s7, s2  }
0x1e: {  	s7 =	smul.u32 @!p0 $0xF7A, s2;
	p2 =	seq.s32 @!p0 s5, $0x0  }
0x1f: {  	s9 =	smul.u32 $0xF7A, s1;
	s8 =	simm.s32 @!p0 $0x1BF5;
	p2 =	por !p2, p0  }
0x20: {  	[sflag:s8] =	ssyncset.s32 @!p0 $0xFFFFF086;
	s6 =	sadd.s32 @!p0 s3, s7;
	s7 =	simm.s32 @!p0 $0x108  }
0x21: {  	s3 =	sadd.s32 s3, s9;
	s6 =	sadd.s32 @!p0 $0x88, s6;
	s7 =	simm.s32 @p2 $0x1082  }
0x22: {  	[simem:s7], [sflag:s8] =	dma.local @!p0 [hbm:s6], $0xF7A  }
0x23: {  	s9 =	sor.u32 $0xD0000000, s2;
	s6 =	simm.s32 $0x108;
	_ =	swait.ge @!p0 [sflag:s8], $0x0  }
0x24: {  	s3 =	sadd.s32 $0x88, s3;
	s6 =	simm.s32 @!p1 $0x1082;
	[sflag:s4] =	ssyncset.s32 $0xFFFFF086  }
0x25: {  	[simem:s6], [sflag:s4] =	dma.local [hbm:s3], $0xF7A  }
0x26: {  	[smem:$0x3F9D] =	sst s1;
	(tag) =	ssettag s2;
	_ =	strace s9  }
0x27: {  	s1 =	sld [smem:$0x3FAD]  }
0x28: {  	s2 =	sld [smem:$0x3FAE]  }
0x29: {  	s4 =	sld [smem:$0x3FB0]  }
0x2a: {  	p0 =	seq.s32 s5, $0x0;
	s5 =	sld [smem:$0x3FB1]  }
0x2b: {  	s6 =	sld [smem:$0x3FB2]  }
0x2c: {  	s7 =	sld [smem:$0x3FB3]  }
0x2d: {  	s3 =	simm.s32 $0x108;
	s8 =	sld [smem:$0x3FB4]  }
0x2e: {  	s3 =	simm.s32 @!p0 $0x1082;
	s9 =	sld [smem:$0x3FB5]  }
0x2f: {  	lr =	sadd.s32 s0, s3;
	s0 =	sld [smem:$0x3FAC]  }
0x30: {  	s3 =	sld [smem:$0x3FAF]  }
0x31: {  	[smem:$0x3FB8] =	sst s10  }
0x32: {  	s10 =	sld [smem:$0x3FB6];
	_ =	sdelay $0x3  }
0x33: {  	p0 =	seq.s32 s10, $0x1;
	s10 =	sld [smem:$0x3FB8];
	_ =	sdelay $0x3  }
0x34: {  	[smem:$0x3FB8] =	sst s10  }
0x35: {  	s10 =	sld [smem:$0x3FB7];
	_ =	sdelay $0x3  }
0x36: {  	p1 =	seq.s32 s10, $0x1;
	s10 =	sld [smem:$0x3FB8];
	_ =	sdelay $0x3  }
0x37: {  	[smem:$0x3FB8] =	sst s10  }
0x38: {  	s10 =	sld [smem:$0x3FB9]  }
0x39: {  	_ = 	snop;
	(pc) =	sbr.ind lr, $3  }
0x3a: {  	_ = 	snop  }
0x3b: {  	_ = 	snop  }
0x3c: {  	p2 =	seq.s32 s10, $0x1;
	s10 =	sld [smem:$0x3FB8]  }
0x3d: {  	_ =	shalt  }
0x3e: {  	_ =	shalt  }
0x3f: {  	_ =	shalt  }
0x40: {  	_ =	shalt  }
0x41: {  	_ =	shalt  }
0x42: {  	_ =	shalt  }
0x43: {  	_ =	shalt  }
0x44: {  	_ =	shalt  }
0x45: {  	_ =	shalt  }
0x46: {  	_ =	shalt  }
0x47: {  	_ =	shalt  }
0x48: {  	_ =	shalt  }
0x49: {  	_ =	shalt  }
0x4a: {  	_ =	shalt  }
0x4b: {  	_ =	shalt  }
0x4c: {  	_ =	shalt  }
0x4d: {  	_ =	shalt  }
0x4e: {  	_ =	shalt  }
0x4f: {  	_ =	shalt  }
0x50: {  	_ =	shalt  }
0x51: {  	_ =	shalt  }
0x52: {  	_ =	shalt  }
0x53: {  	_ =	shalt  }
0x54: {  	_ =	shalt  }
0x55: {  	_ =	shalt  }
0x56: {  	_ =	shalt  }
0x57: {  	_ =	shalt  }
0x58: {  	_ =	shalt  }
0x59: {  	_ =	shalt  }
0x5a: {  	_ =	shalt  }
0x5b: {  	_ =	shalt  }
0x5c: {  	_ =	shalt  }
0x5d: {  	_ =	shalt  }
0x5e: {  	_ =	shalt  }
0x5f: {  	_ =	shalt  }
0x60: {  	_ =	shalt  }
0x61: {  	_ =	shalt  }
0x62: {  	_ =	shalt  }
0x63: {  	_ =	shalt  }
0x64: {  	_ =	shalt  }
0x65: {  	_ =	shalt  }
0x66: {  	_ =	shalt  }
0x67: {  	_ =	shalt  }
0x68: {  	_ =	shalt  }
0x69: {  	_ =	shalt  }
0x6a: {  	_ =	shalt  }
0x6b: {  	_ =	shalt  }
0x6c: {  	_ =	shalt  }
0x6d: {  	_ =	shalt  }
0x6e: {  	_ =	shalt  }
0x6f: {  	_ =	shalt  }
0x70: {  	_ =	shalt  }
0x71: {  	_ =	shalt  }
0x72: {  	_ =	shalt  }
0x73: {  	_ =	shalt  }
0x74: {  	_ =	shalt  }
0x75: {  	_ =	shalt  }
0x76: {  	_ =	shalt  }
0x77: {  	_ =	shalt  }
0x78: {  	_ =	shalt  }
0x79: {  	_ =	shalt  }
0x7a: {  	_ =	shalt  }
0x7b: {  	_ =	shalt  }
0x7c: {  	_ =	shalt  }
0x7d: {  	_ =	shalt  }
0x7e: {  	_ =	shalt  }
0x7f: {  	_ =	shalt  }
0x80: {  	_ =	shalt  }
0x81: {  	_ =	shalt  }
0x82: {  	_ =	shalt  }
0x83: {  	_ =	shalt  }
0x84: {  	_ =	shalt  }
0x85: {  	_ =	shalt  }
0x86: {  	_ =	shalt  }
0x87: {  	_ =	shalt  }
.Lfunc_end0:
.L_simem_size_0:
called_computation_lowered:
.L_overlay_start_0:
0x88: {  	s2 =	sld [smem:$0x3FD9]  }
0x89: {  	s3 =	sld [smem:$0x3FFE];
	_ =	sdelay $0x1  }
0x8a: {  	s1 =	srdreg.scid  }
0x8b: {  	s0 =	sand.u32 $0x1, s1  }
0x8c: {  	s16 =	sshll.u32 s0, $0xA;
	s2 =	sadd.s32 s3, s2  }
0x8d: {  	s2 =	sadd.s32 s2, s16  }
0x8e: {  	[smem:$0x3FC4] =	sst s2  }
0x8f: {  	_ = 	snop  }
0x90: {  	(tm) =	ssettm $0x1  }
0x91: {  	s17 =	sld [smem:$0x3FFB];
	_ =	sdelay $0x3  }
0x92: {  	_ =	strace s17  }
0x93: {  	s2 =	sld [smem:$0x3FFC];
	_ =	sdelay $0x3  }
0x94: {  	_ =	strace s2  }
0x95: {  	s2 =	sld [smem:$0x3FFD];
	_ =	sdelay $0x3  }
0x96: {  	_ =	strace s2  }
0x97: {  	_ =	strace $0x8FFFFFFF  }
0x98: {  	s18 =	sld [smem:$0x3FDB];
	_ =	sdelay $0x1  }
0x99: {  	s19 =	simm.s32 $_scs_section_size  }
0x9a: {  	s4 =	simm.s32 $_size__tile_overlayer_lowered;
	s5 =	simm.s32 $_tile_overlayer_lowered  }
0x9b: {  	s22 =	simm.s32 $0x1BFF;
	s21 =	sshll.u32 s5, $0x1;
	s2 =	sadd.s32 s19, s18  }
0x9c: {  	s6 =	simm.s32 $0x0;
	s20 =	sshll.u32 s4, $0x1;
	s4 =	sadd.s32 s21, s2  }
0x9d: {  	[timem:s6], [sflag:s22] =	dma.local [hbm:s4], s20  }
0x9e: {  	_ =	swait.ge [sflag:s22], s20  }
0x9f: {  	s3 =	ssub.s32 $0x0, s20;
	[sflag:s22] =	ssyncset.done $0x0  }
0xa0: {  	[sflag:s22] =	ssyncadd.s32 s3;
	_ =	sdelay $0x1  }
0xa1: {  	s23 =	simm.s32 $0x1B8B  }
0xa2: {  	_ =	swait.ge [sflag:s23], $0x1  }
0xa3: {  	[sflag:s23] =	ssyncset.done $0x0  }
0xa4: {  	s25 =	simm.s32 $0x1B8E;
	s24 =	sld [smem:$0x3FFE];
	[sflag:s23] =	ssyncadd.s32 $0xFFFFFFFF  }
0xa5: {  	s26 =	simm.s32 $execute0_lowered;
	[smem:$0x3FD2] =	sst s25  }
0xa6: {  	s4 =	sshll.u32 s26, $0x1;
	_ =	strace $0x80000046;
	[dreg:$0x1] =	wrdreg $0xFFFFFFFF  }
0xa7: {  	s28 =	simm.s32 $_size_execute0_lowered;
	s2 =	sadd.s32 s2, s4;
	[dreg:$0x0] =	wrdreg $0x0  }
0xa8: {  	s4 =	sshll.u32 s28, $0x1;
	[dreg:$0x2] =	wrdreg s2  }
0xa9: {  	[dreg:$0x3] =	wrdreg s4  }
0xaa: {  	[dreg:$0x4] =	wrdreg $0xC0  }
0xab: {  	_ =	task [dreg:s6], $0x5FFFF  }
0xac: {  	[dreg:$0x1] =	wrdreg $0xFFFFFFFF  }
0xad: {  	[dreg:$0x0] =	wrdreg $0x60  }
0xae: {  	[dreg:$0x2] =	wrdreg s24  }
0xaf: {  	[dreg:$0x3] =	wrdreg $0x9  }
0xb0: {  	_ =	task.clear_ibuf [dreg:s6], $0x4FFFF;
	_ =	strace $0x90000046  }
0xb1: {  	s29 =	simm.s32 $0x9;
	_ =	strace $0x80000048  }
0xb2: {  	_ =	swait.ge [sflag:s29], $0x1  }
0xb3: {  	[sflag:s29] =	ssyncadd.s32 $0xFFFFFFFF  }
0xb4: {  	_ =	strace $0x90000048  }
0xb5: {  	_ =	sfence  }
0xb6: {  	s30 =	sld [smem:$0x0];
	_ =	sdelay $0x2  }
0xb7: {  	s31 =	sshll.u32 s1, $0xD;
	s1 =	sshrl.u32 s1, $0x2  }
0xb8: {  	s3 =	sand.u32 $0x4000, s31;
	s1 =	sadd.s32 s1, s30  }
0xb9: {  	s0 =	sor.u32 s3, s0;
	s1 =	sshll.u32 s1, $0x11  }
0xba: {  	s0 =	sor.u32 s1, s0  }
0xbb: {  	s0 =	sadd.s32 $0x8F2B, s0  }
0xbc: {  	[sflag:s0] =	ssyncadd.remote.s32 $0x1  }
0xbd: {  	_ =	sfence.sel $0xFFFF  }
0xbe: {  	[dreg:$0x0] =	wrdreg $0xFFFFFFFF;
	(pc) =	sbr.abs _section_cstart, $3  }
0xbf: {  	[dreg:$0x1] =	wrdreg $0xFFFFFFFF  }
0xc0: {  	_ =	task.clear_ibuf [dreg:s6], $0x2FFFF;
	_ =	strace $0x9FFFFFFF  }
0xc1: {  	(tm) =	ssettm $0x7FFFFFFF  }
tec
execute0_lowered:
.L_overlay_start_1:
0x0: {  	(tag) =	ssettag $0x1  }
0x1: {  	s3 =	rddreg [dreg:$0x0]  }
0x2: {  	s0 =	rddreg [dreg:$0x1]  }
0x3: {  	s2 =	simm.s32 $0x0;
	s4 =	srdreg.scid;
	s1 =	stileid.u32  }
0x4: {  	s11 =	simm.s32 $0x10000;
	s12 =	simm.s32 $0x0;
	[smem:$0x7FF] =	sst s2  }
0x5: {  	s4 =	sand.u32 $0x1, s4;
	s5 =	sadd.s32 $0xC00, s3;
	s6 =	sshll.u32 s1, $0xB  }
0x6: {  	s8 =	sadd.s32 $0x80C00, s3;
	s7 =	sshll.u32 s4, $0xA;
	s28 =	ssub.s32 $0x2, s4  }
0x7: {  	_ =	strace $0x80000047;
	s29 =	sor.u32 s7, s6;
	s30 =	sshrl.u32 s28, $0x1  }
0x8: {  	s7 =	sshll.u32 s29, $0x4;
	s9 =	sor.u32 $0x200, s29;
	s10 =	ssub.s32 s28, s30  }
0x9: {  	s4 =	sadd.s32 s8, s29;
	s3 =	sadd.s32 s5, s7;
	s31 =	sshll.u32 s9, $0x4  }
0xa: {  	s6 =	sadd.s32 s8, s9;
	s7 =	smax.u32 s10, $0x1;
	s8 =	simm.s32 $0x1  }
0xb: {  	v0 =	vlaneseq.u32;
	s9 =	simm.s32 $0x1000;
	s10 =	simm.s32 $0x40000;
	s5 =	sadd.s32 s5, s31  }
.LBB2_1:
0xc: {  	[tilespmem:$0x18000] =	vst v0  }
0xd: {  	[tilespmem:s2], [sflag:$0x1] =	stream.linear.gather [hbm4b:s3+s2], $0x10000, $0x38;
	[tilespmem:$0x18080] =	vst v63  }
0xe: {  	_ =	swait.ge [sflag:s8], $0x10000  }
0xf: {  	[sflag:s8] =	ssyncset.done $0x0  }
0x10: {  	s13 =	simm.s32 $0x0;
	s14 =	simm.s32 $0x0;
	[sflag:s8] =	ssyncadd.s32 $0xFFFF0000  }
.LBB2_2:
0x11: {  	v1 =	vld [tilespmem:$0x18000];
	_ =	sdelay $0x4  }
0x12: {  	v1 =	vadd.s32 s14, v1  }
0x13: {  	v1 =	vshll.u32 v1, $0x7;
	_ =	sdelay $0x4  }
0x14: {  	v2 =	vld.idx.msk [tilespmem:v1+s2+$0x0], $0xffff  }
0x15: {  	v3 =	vor.u32 $0x1, v1;
	_ =	sdelay $0x1  }
0x16: {  	s15 =	sand.u32 $0x70, s14;
	s16 =	sand.u32 $0xC00, s13  }
0x17: {  	s15 =	sor.u32 s15, s16  }
0x18: {  	[tilespmem:s15+$0x10000] =	vst v2  }
0x19: {  	v2 =	vld.idx.msk [tilespmem:v3+s2+$0x0], $0xffff  }
0x1a: {  	v3 =	vor.u32 $0x2, v1;
	_ =	sdelay $0x3  }
0x1b: {  	[tilespmem:s15+$0x10080] =	vst v2  }
0x1c: {  	v2 =	vld.idx.msk [tilespmem:v3+s2+$0x0], $0xffff  }
0x1d: {  	v3 =	vor.u32 $0x3, v1;
	_ =	sdelay $0x3  }
0x1e: {  	[tilespmem:s15+$0x10100] =	vst v2  }
0x1f: {  	v2 =	vld.idx.msk [tilespmem:v3+s2+$0x0], $0xffff  }
0x20: {  	v3 =	vor.u32 $0x4, v1;
	_ =	sdelay $0x3  }
0x21: {  	[tilespmem:s15+$0x10180] =	vst v2  }
0x22: {  	v2 =	vld.idx.msk [tilespmem:v3+s2+$0x0], $0xffff  }
0x23: {  	v3 =	vor.u32 $0x5, v1;
	_ =	sdelay $0x3  }
0x24: {  	[tilespmem:s15+$0x10200] =	vst v2  }
0x25: {  	v2 =	vld.idx.msk [tilespmem:v3+s2+$0x0], $0xffff  }
0x26: {  	v3 =	vor.u32 $0x6, v1;
	_ =	sdelay $0x3  }
0x27: {  	[tilespmem:s15+$0x10280] =	vst v2  }
0x28: {  	v2 =	vld.idx.msk [tilespmem:v3+s2+$0x0], $0xffff  }
0x29: {  	v3 =	vor.u32 $0x7, v1;
	_ =	sdelay $0x3  }
0x2a: {  	[tilespmem:s15+$0x10300] =	vst v2  }
0x2b: {  	v2 =	vld.idx.msk [tilespmem:v3+s2+$0x0], $0xffff  }
0x2c: {  	v3 =	vor.u32 $0x8, v1;
	_ =	sdelay $0x1  }
0x2d: {  	s31 =	sor.u32 s13, s14  }
0x2e: {  	s16 =	sor.u32 $0x380, s31  }
0x2f: {  	[tilespmem:s16+$0x10000] =	vst v2  }
0x30: {  	v2 =	vld.idx.msk [tilespmem:v3+s2+$0x0], $0xffff  }
0x31: {  	v3 =	vor.u32 $0x9, v1;
	_ =	sdelay $0x3  }
0x32: {  	[tilespmem:s15+$0x11000] =	vst v2  }
0x33: {  	v2 =	vld.idx.msk [tilespmem:v3+s2+$0x0], $0xffff  }
0x34: {  	v3 =	vor.u32 $0xA, v1;
	_ =	sdelay $0x3  }
0x35: {  	[tilespmem:s15+$0x11080] =	vst v2  }
0x36: {  	v2 =	vld.idx.msk [tilespmem:v3+s2+$0x0], $0xffff  }
0x37: {  	v3 =	vor.u32 $0xB, v1;
	_ =	sdelay $0x3  }
0x38: {  	[tilespmem:s15+$0x11100] =	vst v2  }
0x39: {  	v2 =	vld.idx.msk [tilespmem:v3+s2+$0x0], $0xffff  }
0x3a: {  	v3 =	vor.u32 $0xC, v1;
	_ =	sdelay $0x3  }
0x3b: {  	[tilespmem:s15+$0x11180] =	vst v2  }
0x3c: {  	v2 =	vld.idx.msk [tilespmem:v3+s2+$0x0], $0xffff  }
0x3d: {  	v3 =	vor.u32 $0xD, v1;
	_ =	sdelay $0x3  }
0x3e: {  	[tilespmem:s15+$0x11200] =	vst v2  }
0x3f: {  	v2 =	vld.idx.msk [tilespmem:v3+s2+$0x0], $0xffff  }
0x40: {  	v3 =	vor.u32 $0xE, v1;
	_ =	sdelay $0x3  }
0x41: {  	[tilespmem:s15+$0x11280] =	vst v2  }
0x42: {  	v2 =	vld.idx.msk [tilespmem:v3+s2+$0x0], $0xffff  }
0x43: {  	v3 =	vor.u32 $0xF, v1;
	_ =	sdelay $0x3  }
0x44: {  	[tilespmem:s15+$0x11300] =	vst v2  }
0x45: {  	v2 =	vld.idx.msk [tilespmem:v3+s2+$0x0], $0xffff  }
0x46: {  	v3 =	vor.u32 $0x10, v1;
	_ =	sdelay $0x3  }
0x47: {  	[tilespmem:s15+$0x11380] =	vst v2  }
0x48: {  	v2 =	vld.idx.msk [tilespmem:v3+s2+$0x0], $0xffff  }
0x49: {  	v3 =	vor.u32 $0x11, v1;
	_ =	sdelay $0x3  }
0x4a: {  	[tilespmem:s15+$0x12000] =	vst v2  }
0x4b: {  	v2 =	vld.idx.msk [tilespmem:v3+s2+$0x0], $0xffff  }
0x4c: {  	v3 =	vor.u32 $0x12, v1;
	_ =	sdelay $0x3  }
0x4d: {  	[tilespmem:s15+$0x12080] =	vst v2  }
0x4e: {  	v2 =	vld.idx.msk [tilespmem:v3+s2+$0x0], $0xffff  }
0x4f: {  	v3 =	vor.u32 $0x13, v1;
	_ =	sdelay $0x3  }
0x50: {  	[tilespmem:s15+$0x12100] =	vst v2  }
0x51: {  	v2 =	vld.idx.msk [tilespmem:v3+s2+$0x0], $0xffff  }
0x52: {  	v3 =	vor.u32 $0x14, v1;
	_ =	sdelay $0x3  }
0x53: {  	[tilespmem:s15+$0x12180] =	vst v2  }
0x54: {  	v2 =	vld.idx.msk [tilespmem:v3+s2+$0x0], $0xffff  }
0x55: {  	v3 =	vor.u32 $0x15, v1;
	_ =	sdelay $0x3  }
0x56: {  	[tilespmem:s15+$0x12200] =	vst v2  }
0x57: {  	v2 =	vld.idx.msk [tilespmem:v3+s2+$0x0], $0xffff  }
0x58: {  	v3 =	vor.u32 $0x16, v1;
	_ =	sdelay $0x3  }
0x59: {  	[tilespmem:s15+$0x12280] =	vst v2  }
0x5a: {  	v2 =	vld.idx.msk [tilespmem:v3+s2+$0x0], $0xffff  }
0x5b: {  	v3 =	vor.u32 $0x17, v1;
	_ =	sdelay $0x3  }
0x5c: {  	[tilespmem:s15+$0x12300] =	vst v2  }
0x5d: {  	v2 =	vld.idx.msk [tilespmem:v3+s2+$0x0], $0xffff  }
0x5e: {  	v3 =	vor.u32 $0x18, v1;
	_ =	sdelay $0x3  }
0x5f: {  	[tilespmem:s15+$0x12380] =	vst v2  }
0x60: {  	v2 =	vld.idx.msk [tilespmem:v3+s2+$0x0], $0xffff  }
0x61: {  	v3 =	vor.u32 $0x19, v1;
	_ =	sdelay $0x3  }
0x62: {  	[tilespmem:s15+$0x13000] =	vst v2  }
0x63: {  	v2 =	vld.idx.msk [tilespmem:v3+s2+$0x0], $0xffff  }
0x64: {  	v3 =	vor.u32 $0x1A, v1;
	_ =	sdelay $0x3  }
0x65: {  	[tilespmem:s15+$0x13080] =	vst v2  }
0x66: {  	v2 =	vld.idx.msk [tilespmem:v3+s2+$0x0], $0xffff  }
0x67: {  	v3 =	vor.u32 $0x1B, v1;
	_ =	sdelay $0x3  }
0x68: {  	[tilespmem:s15+$0x13100] =	vst v2  }
0x69: {  	v2 =	vld.idx.msk [tilespmem:v3+s2+$0x0], $0xffff  }
0x6a: {  	v3 =	vor.u32 $0x1C, v1;
	_ =	sdelay $0x3  }
0x6b: {  	[tilespmem:s15+$0x13180] =	vst v2  }
0x6c: {  	v2 =	vld.idx.msk [tilespmem:v3+s2+$0x0], $0xffff  }
0x6d: {  	v3 =	vor.u32 $0x1D, v1;
	_ =	sdelay $0x3  }
0x6e: {  	[tilespmem:s15+$0x13200] =	vst v2  }
0x6f: {  	v2 =	vld.idx.msk [tilespmem:v3+s2+$0x0], $0xffff  }
0x70: {  	v3 =	vor.u32 $0x1E, v1;
	_ =	sdelay $0x3  }
0x71: {  	[tilespmem:s15+$0x13280] =	vst v2  }
0x72: {  	v2 =	vld.idx.msk [tilespmem:v3+s2+$0x0], $0xffff  }
0x73: {  	v3 =	vor.u32 $0x1F, v1;
	_ =	sdelay $0x3  }
0x74: {  	[tilespmem:s15+$0x13300] =	vst v2  }
0x75: {  	v2 =	vld.idx.msk [tilespmem:v3+s2+$0x0], $0xffff  }
0x76: {  	v3 =	vor.u32 $0x20, v1;
	_ =	sdelay $0x3  }
0x77: {  	[tilespmem:s15+$0x13380] =	vst v2  }
0x78: {  	v2 =	vld.idx.msk [tilespmem:v3+s2+$0x0], $0xffff  }
0x79: {  	v3 =	vor.u32 $0x21, v1;
	_ =	sdelay $0x3  }
0x7a: {  	[tilespmem:s15+$0x14000] =	vst v2  }
0x7b: {  	v2 =	vld.idx.msk [tilespmem:v3+s2+$0x0], $0xffff  }
0x7c: {  	v3 =	vor.u32 $0x22, v1;
	_ =	sdelay $0x3  }
0x7d: {  	[tilespmem:s15+$0x14080] =	vst v2  }
0x7e: {  	v2 =	vld.idx.msk [tilespmem:v3+s2+$0x0], $0xffff  }
0x7f: {  	v3 =	vor.u32 $0x23, v1;
	_ =	sdelay $0x3  }
0x80: {  	[tilespmem:s15+$0x14100] =	vst v2  }
0x81: {  	v2 =	vld.idx.msk [tilespmem:v3+s2+$0x0], $0xffff  }
0x82: {  	v3 =	vor.u32 $0x24, v1;
	_ =	sdelay $0x3  }
0x83: {  	[tilespmem:s15+$0x14180] =	vst v2  }
0x84: {  	v2 =	vld.idx.msk [tilespmem:v3+s2+$0x0], $0xffff  }
0x85: {  	v3 =	vor.u32 $0x25, v1;
	_ =	sdelay $0x3  }
0x86: {  	[tilespmem:s15+$0x14200] =	vst v2  }
0x87: {  	v2 =	vld.idx.msk [tilespmem:v3+s2+$0x0], $0xffff  }
0x88: {  	v3 =	vor.u32 $0x26, v1;
	_ =	sdelay $0x3  }
0x89: {  	[tilespmem:s15+$0x14280] =	vst v2  }
0x8a: {  	v2 =	vld.idx.msk [tilespmem:v3+s2+$0x0], $0xffff  }
0x8b: {  	v3 =	vor.u32 $0x27, v1;
	_ =	sdelay $0x3  }
0x8c: {  	[tilespmem:s15+$0x14300] =	vst v2  }
0x8d: {  	v2 =	vld.idx.msk [tilespmem:v3+s2+$0x0], $0xffff  }
0x8e: {  	v3 =	vor.u32 $0x28, v1;
	_ =	sdelay $0x3  }
0x8f: {  	[tilespmem:s15+$0x14380] =	vst v2  }
0x90: {  	v2 =	vld.idx.msk [tilespmem:v3+s2+$0x0], $0xffff  }
0x91: {  	v3 =	vor.u32 $0x29, v1;
	_ =	sdelay $0x3  }
0x92: {  	[tilespmem:s15+$0x15000] =	vst v2  }
0x93: {  	v2 =	vld.idx.msk [tilespmem:v3+s2+$0x0], $0xffff  }
0x94: {  	v3 =	vor.u32 $0x2A, v1;
	_ =	sdelay $0x3  }
0x95: {  	[tilespmem:s15+$0x15080] =	vst v2  }
0x96: {  	v2 =	vld.idx.msk [tilespmem:v3+s2+$0x0], $0xffff  }
0x97: {  	v3 =	vor.u32 $0x2B, v1;
	_ =	sdelay $0x3  }
0x98: {  	[tilespmem:s15+$0x15100] =	vst v2  }
0x99: {  	v2 =	vld.idx.msk [tilespmem:v3+s2+$0x0], $0xffff  }
0x9a: {  	v3 =	vor.u32 $0x2C, v1;
	_ =	sdelay $0x3  }
0x9b: {  	[tilespmem:s15+$0x15180] =	vst v2  }
0x9c: {  	v2 =	vld.idx.msk [tilespmem:v3+s2+$0x0], $0xffff  }
0x9d: {  	v3 =	vor.u32 $0x2D, v1;
	_ =	sdelay $0x3  }
0x9e: {  	[tilespmem:s15+$0x15200] =	vst v2  }
0x9f: {  	v2 =	vld.idx.msk [tilespmem:v3+s2+$0x0], $0xffff  }
0xa0: {  	v3 =	vor.u32 $0x2E, v1;
	_ =	sdelay $0x3  }
0xa1: {  	[tilespmem:s15+$0x15280] =	vst v2  }
0xa2: {  	v2 =	vld.idx.msk [tilespmem:v3+s2+$0x0], $0xffff  }
0xa3: {  	v3 =	vor.u32 $0x2F, v1;
	_ =	sdelay $0x3  }
0xa4: {  	[tilespmem:s15+$0x15300] =	vst v2  }
0xa5: {  	v2 =	vld.idx.msk [tilespmem:v3+s2+$0x0], $0xffff  }
0xa6: {  	v3 =	vor.u32 $0x30, v1;
	_ =	sdelay $0x3  }
0xa7: {  	[tilespmem:s15+$0x15380] =	vst v2  }
0xa8: {  	v2 =	vld.idx.msk [tilespmem:v3+s2+$0x0], $0xffff  }
0xa9: {  	v3 =	vor.u32 $0x31, v1;
	_ =	sdelay $0x3  }
0xaa: {  	[tilespmem:s15+$0x16000] =	vst v2  }
0xab: {  	v2 =	vld.idx.msk [tilespmem:v3+s2+$0x0], $0xffff  }
0xac: {  	v3 =	vor.u32 $0x32, v1;
	_ =	sdelay $0x3  }
0xad: {  	[tilespmem:s15+$0x16080] =	vst v2  }
0xae: {  	v2 =	vld.idx.msk [tilespmem:v3+s2+$0x0], $0xffff  }
0xaf: {  	v3 =	vor.u32 $0x33, v1;
	_ =	sdelay $0x3  }
0xb0: {  	[tilespmem:s15+$0x16100] =	vst v2  }
0xb1: {  	v2 =	vld.idx.msk [tilespmem:v3+s2+$0x0], $0xffff  }
0xb2: {  	v3 =	vor.u32 $0x34, v1;
	_ =	sdelay $0x3  }
0xb3: {  	[tilespmem:s15+$0x16180] =	vst v2  }
0xb4: {  	v2 =	vld.idx.msk [tilespmem:v3+s2+$0x0], $0xffff  }
0xb5: {  	v3 =	vor.u32 $0x35, v1;
	_ =	sdelay $0x3  }
0xb6: {  	[tilespmem:s15+$0x16200] =	vst v2  }
0xb7: {  	v2 =	vld.idx.msk [tilespmem:v3+s2+$0x0], $0xffff  }
0xb8: {  	v3 =	vor.u32 $0x36, v1;
	_ =	sdelay $0x3  }
0xb9: {  	[tilespmem:s15+$0x16280] =	vst v2  }
0xba: {  	v2 =	vld.idx.msk [tilespmem:v3+s2+$0x0], $0xffff  }
0xbb: {  	v3 =	vor.u32 $0x37, v1;
	_ =	sdelay $0x3  }
0xbc: {  	[tilespmem:s15+$0x16300] =	vst v2  }
0xbd: {  	v2 =	vld.idx.msk [tilespmem:v3+s2+$0x0], $0xffff  }
0xbe: {  	v3 =	vor.u32 $0x38, v1;
	_ =	sdelay $0x3  }
0xbf: {  	[tilespmem:s15+$0x16380] =	vst v2  }
0xc0: {  	v2 =	vld.idx.msk [tilespmem:v3+s2+$0x0], $0xffff  }
0xc1: {  	v3 =	vor.u32 $0x39, v1;
	_ =	sdelay $0x3  }
0xc2: {  	[tilespmem:s15+$0x17000] =	vst v2  }
0xc3: {  	v2 =	vld.idx.msk [tilespmem:v3+s2+$0x0], $0xffff  }
0xc4: {  	v3 =	vor.u32 $0x3A, v1;
	_ =	sdelay $0x3  }
0xc5: {  	[tilespmem:s15+$0x17080] =	vst v2  }
0xc6: {  	v2 =	vld.idx.msk [tilespmem:v3+s2+$0x0], $0xffff  }
0xc7: {  	v3 =	vor.u32 $0x3B, v1;
	_ =	sdelay $0x3  }
0xc8: {  	[tilespmem:s15+$0x17100] =	vst v2  }
0xc9: {  	v2 =	vld.idx.msk [tilespmem:v3+s2+$0x0], $0xffff  }
0xca: {  	v3 =	vor.u32 $0x3C, v1;
	_ =	sdelay $0x3  }
0xcb: {  	[tilespmem:s15+$0x17180] =	vst v2  }
0xcc: {  	v2 =	vld.idx.msk [tilespmem:v3+s2+$0x0], $0xffff  }
0xcd: {  	v3 =	vor.u32 $0x3D, v1;
	_ =	sdelay $0x3  }
0xce: {  	[tilespmem:s15+$0x17200] =	vst v2  }
0xcf: {  	v2 =	vld.idx.msk [tilespmem:v3+s2+$0x0], $0xffff  }
0xd0: {  	v3 =	vor.u32 $0x3E, v1;
	_ =	sdelay $0x3  }
0xd1: {  	[tilespmem:s15+$0x17280] =	vst v2  }
0xd2: {  	v2 =	vld.idx.msk [tilespmem:v3+s2+$0x0], $0xffff  }
0xd3: {  	v1 =	vor.u32 $0x3F, v1;
	_ =	sdelay $0x3  }
0xd4: {  	[tilespmem:s15+$0x17300] =	vst v2  }
0xd5: {  	p0 =	sne.s32 s14, $0x1F0;
	v1 =	vld.idx.msk [tilespmem:v1+s2+$0x0], $0xffff  }
.Ltmp0:
0xd6: {  	_ = 	snop;
	(pc) =	sbr.rel @p0 .LBB2_2-.Ltmp0, $2  }
0xd7: {  	_ =	sdelay $0x2  }
0xd8: {  	s13 =	sadd.s32 $0x80, s13;
	s14 =	sadd.s32 $0x10, s14;
	[tilespmem:s15+$0x17380] =	vst v1  }
0xd9: {  	[hbm4b:s4+s9] =	stream.strided.scatter [tilespmem:s11], [sflag:$0x1], $0x8000, s10, s9, $0x38;
	[tilespmem:$0x18080] =	vst v63  }
0xda: {  	_ =	swait.ge [sflag:s8], $0x8000  }
0xdb: {  	[sflag:s8] =	ssyncset.done $0x0  }
0xdc: {  	s13 =	simm.s32 $0x0;
	[sflag:s8] =	ssyncadd.s32 $0xFFFF8000  }
0xdd: {  	[tilespmem:s13], [sflag:$0x1] =	stream.linear.gather [hbm4b:s5+s13], $0x10000, $0x38;
	[tilespmem:$0x18080] =	vst v63  }
0xde: {  	_ =	swait.ge [sflag:s8], $0x10000  }
0xdf: {  	[sflag:s8] =	ssyncset.done $0x0  }
0xe0: {  	s14 =	simm.s32 $0x0;
	[sflag:s8] =	ssyncadd.s32 $0xFFFF0000  }
.LBB2_4:
0xe1: {  	v1 =	vld [tilespmem:$0x18000];
	_ =	sdelay $0x4  }
0xe2: {  	v1 =	vadd.s32 s14, v1  }
0xe3: {  	v1 =	vshll.u32 v1, $0x7;
	_ =	sdelay $0x4  }
0xe4: {  	v2 =	vld.idx.msk [tilespmem:v1+s2+$0x0], $0xffff  }
0xe5: {  	v3 =	vor.u32 $0x1, v1;
	_ =	sdelay $0x1  }
0xe6: {  	s15 =	sand.u32 $0x70, s14;
	s16 =	sand.u32 $0xC00, s13  }
0xe7: {  	s15 =	sor.u32 s15, s16  }
0xe8: {  	[tilespmem:s15+$0x10000] =	vst v2  }
0xe9: {  	v2 =	vld.idx.msk [tilespmem:v3+s2+$0x0], $0xffff  }
0xea: {  	v3 =	vor.u32 $0x2, v1;
	_ =	sdelay $0x3  }
0xeb: {  	[tilespmem:s15+$0x10080] =	vst v2  }
0xec: {  	v2 =	vld.idx.msk [tilespmem:v3+s2+$0x0], $0xffff  }
0xed: {  	v3 =	vor.u32 $0x3, v1;
	_ =	sdelay $0x3  }
0xee: {  	[tilespmem:s15+$0x10100] =	vst v2  }
0xef: {  	v2 =	vld.idx.msk [tilespmem:v3+s2+$0x0], $0xffff  }
0xf0: {  	v3 =	vor.u32 $0x4, v1;
	_ =	sdelay $0x3  }
0xf1: {  	[tilespmem:s15+$0x10180] =	vst v2  }
0xf2: {  	v2 =	vld.idx.msk [tilespmem:v3+s2+$0x0], $0xffff  }
0xf3: {  	v3 =	vor.u32 $0x5, v1;
	_ =	sdelay $0x3  }
0xf4: {  	[tilespmem:s15+$0x10200] =	vst v2  }
0xf5: {  	v2 =	vld.idx.msk [tilespmem:v3+s2+$0x0], $0xffff  }
0xf6: {  	v3 =	vor.u32 $0x6, v1;
	_ =	sdelay $0x3  }
0xf7: {  	[tilespmem:s15+$0x10280] =	vst v2  }
0xf8: {  	v2 =	vld.idx.msk [tilespmem:v3+s2+$0x0], $0xffff  }
0xf9: {  	v3 =	vor.u32 $0x7, v1;
	_ =	sdelay $0x3  }
0xfa: {  	[tilespmem:s15+$0x10300] =	vst v2  }
0xfb: {  	v2 =	vld.idx.msk [tilespmem:v3+s2+$0x0], $0xffff  }
0xfc: {  	v3 =	vor.u32 $0x8, v1;
	_ =	sdelay $0x1  }
0xfd: {  	s31 =	sor.u32 s13, s14  }
0xfe: {  	s16 =	sor.u32 $0x380, s31  }
0xff: {  	[tilespmem:s16+$0x10000] =	vst v2  }
0x100: {  	v2 =	vld.idx.msk [tilespmem:v3+s2+$0x0], $0xffff  }
0x101: {  	v3 =	vor.u32 $0x9, v1;
	_ =	sdelay $0x3  }
0x102: {  	[tilespmem:s15+$0x11000] =	vst v2  }
0x103: {  	v2 =	vld.idx.msk [tilespmem:v3+s2+$0x0], $0xffff  }
0x104: {  	v3 =	vor.u32 $0xA, v1;
	_ =	sdelay $0x3  }
0x105: {  	[tilespmem:s15+$0x11080] =	vst v2  }
0x106: {  	v2 =	vld.idx.msk [tilespmem:v3+s2+$0x0], $0xffff  }
0x107: {  	v3 =	vor.u32 $0xB, v1;
	_ =	sdelay $0x3  }
0x108: {  	[tilespmem:s15+$0x11100] =	vst v2  }
0x109: {  	v2 =	vld.idx.msk [tilespmem:v3+s2+$0x0], $0xffff  }
0x10a: {  	v3 =	vor.u32 $0xC, v1;
	_ =	sdelay $0x3  }
0x10b: {  	[tilespmem:s15+$0x11180] =	vst v2  }
0x10c: {  	v2 =	vld.idx.msk [tilespmem:v3+s2+$0x0], $0xffff  }
0x10d: {  	v3 =	vor.u32 $0xD, v1;
	_ =	sdelay $0x3  }
0x10e: {  	[tilespmem:s15+$0x11200] =	vst v2  }
0x10f: {  	v2 =	vld.idx.msk [tilespmem:v3+s2+$0x0], $0xffff  }
0x110: {  	v3 =	vor.u32 $0xE, v1;
	_ =	sdelay $0x3  }
0x111: {  	[tilespmem:s15+$0x11280] =	vst v2  }
0x112: {  	v2 =	vld.idx.msk [tilespmem:v3+s2+$0x0], $0xffff  }
0x113: {  	v3 =	vor.u32 $0xF, v1;
	_ =	sdelay $0x3  }
0x114: {  	[tilespmem:s15+$0x11300] =	vst v2  }
0x115: {  	v2 =	vld.idx.msk [tilespmem:v3+s2+$0x0], $0xffff  }
0x116: {  	v3 =	vor.u32 $0x10, v1;
	_ =	sdelay $0x3  }
0x117: {  	[tilespmem:s15+$0x11380] =	vst v2  }
0x118: {  	v2 =	vld.idx.msk [tilespmem:v3+s2+$0x0], $0xffff  }
0x119: {  	v3 =	vor.u32 $0x11, v1;
	_ =	sdelay $0x3  }
0x11a: {  	[tilespmem:s15+$0x12000] =	vst v2  }
0x11b: {  	v2 =	vld.idx.msk [tilespmem:v3+s2+$0x0], $0xffff  }
0x11c: {  	v3 =	vor.u32 $0x12, v1;
	_ =	sdelay $0x3  }
0x11d: {  	[tilespmem:s15+$0x12080] =	vst v2  }
0x11e: {  	v2 =	vld.idx.msk [tilespmem:v3+s2+$0x0], $0xffff  }
0x11f: {  	v3 =	vor.u32 $0x13, v1;
	_ =	sdelay $0x3  }
0x120: {  	[tilespmem:s15+$0x12100] =	vst v2  }
0x121: {  	v2 =	vld.idx.msk [tilespmem:v3+s2+$0x0], $0xffff  }
0x122: {  	v3 =	vor.u32 $0x14, v1;
	_ =	sdelay $0x3  }
0x123: {  	[tilespmem:s15+$0x12180] =	vst v2  }
0x124: {  	v2 =	vld.idx.msk [tilespmem:v3+s2+$0x0], $0xffff  }
0x125: {  	v3 =	vor.u32 $0x15, v1;
	_ =	sdelay $0x3  }
0x126: {  	[tilespmem:s15+$0x12200] =	vst v2  }
0x127: {  	v2 =	vld.idx.msk [tilespmem:v3+s2+$0x0], $0xffff  }
0x128: {  	v3 =	vor.u32 $0x16, v1;
	_ =	sdelay $0x3  }
0x129: {  	[tilespmem:s15+$0x12280] =	vst v2  }
0x12a: {  	v2 =	vld.idx.msk [tilespmem:v3+s2+$0x0], $0xffff  }
0x12b: {  	v3 =	vor.u32 $0x17, v1;
	_ =	sdelay $0x3  }
0x12c: {  	[tilespmem:s15+$0x12300] =	vst v2  }
0x12d: {  	v2 =	vld.idx.msk [tilespmem:v3+s2+$0x0], $0xffff  }
0x12e: {  	v3 =	vor.u32 $0x18, v1;
	_ =	sdelay $0x3  }
0x12f: {  	[tilespmem:s15+$0x12380] =	vst v2  }
0x130: {  	v2 =	vld.idx.msk [tilespmem:v3+s2+$0x0], $0xffff  }
0x131: {  	v3 =	vor.u32 $0x19, v1;
	_ =	sdelay $0x3  }
0x132: {  	[tilespmem:s15+$0x13000] =	vst v2  }
0x133: {  	v2 =	vld.idx.msk [tilespmem:v3+s2+$0x0], $0xffff  }
0x134: {  	v3 =	vor.u32 $0x1A, v1;
	_ =	sdelay $0x3  }
0x135: {  	[tilespmem:s15+$0x13080] =	vst v2  }
0x136: {  	v2 =	vld.idx.msk [tilespmem:v3+s2+$0x0], $0xffff  }
0x137: {  	v3 =	vor.u32 $0x1B, v1;
	_ =	sdelay $0x3  }
0x138: {  	[tilespmem:s15+$0x13100] =	vst v2  }
0x139: {  	v2 =	vld.idx.msk [tilespmem:v3+s2+$0x0], $0xffff  }
0x13a: {  	v3 =	vor.u32 $0x1C, v1;
	_ =	sdelay $0x3  }
0x13b: {  	[tilespmem:s15+$0x13180] =	vst v2  }
0x13c: {  	v2 =	vld.idx.msk [tilespmem:v3+s2+$0x0], $0xffff  }
0x13d: {  	v3 =	vor.u32 $0x1D, v1;
	_ =	sdelay $0x3  }
0x13e: {  	[tilespmem:s15+$0x13200] =	vst v2  }
0x13f: {  	v2 =	vld.idx.msk [tilespmem:v3+s2+$0x0], $0xffff  }
0x140: {  	v3 =	vor.u32 $0x1E, v1;
	_ =	sdelay $0x3  }
0x141: {  	[tilespmem:s15+$0x13280] =	vst v2  }
0x142: {  	v2 =	vld.idx.msk [tilespmem:v3+s2+$0x0], $0xffff  }
0x143: {  	v3 =	vor.u32 $0x1F, v1;
	_ =	sdelay $0x3  }
0x144: {  	[tilespmem:s15+$0x13300] =	vst v2  }
0x145: {  	v2 =	vld.idx.msk [tilespmem:v3+s2+$0x0], $0xffff  }
0x146: {  	v3 =	vor.u32 $0x20, v1;
	_ =	sdelay $0x3  }
0x147: {  	[tilespmem:s15+$0x13380] =	vst v2  }
0x148: {  	v2 =	vld.idx.msk [tilespmem:v3+s2+$0x0], $0xffff  }
0x149: {  	v3 =	vor.u32 $0x21, v1;
	_ =	sdelay $0x3  }
0x14a: {  	[tilespmem:s15+$0x14000] =	vst v2  }
0x14b: {  	v2 =	vld.idx.msk [tilespmem:v3+s2+$0x0], $0xffff  }
0x14c: {  	v3 =	vor.u32 $0x22, v1;
	_ =	sdelay $0x3  }
0x14d: {  	[tilespmem:s15+$0x14080] =	vst v2  }
0x14e: {  	v2 =	vld.idx.msk [tilespmem:v3+s2+$0x0], $0xffff  }
0x14f: {  	v3 =	vor.u32 $0x23, v1;
	_ =	sdelay $0x3  }
0x150: {  	[tilespmem:s15+$0x14100] =	vst v2  }
0x151: {  	v2 =	vld.idx.msk [tilespmem:v3+s2+$0x0], $0xffff  }
0x152: {  	v3 =	vor.u32 $0x24, v1;
	_ =	sdelay $0x3  }
0x153: {  	[tilespmem:s15+$0x14180] =	vst v2  }
0x154: {  	v2 =	vld.idx.msk [tilespmem:v3+s2+$0x0], $0xffff  }
0x155: {  	v3 =	vor.u32 $0x25, v1;
	_ =	sdelay $0x3  }
0x156: {  	[tilespmem:s15+$0x14200] =	vst v2  }
0x157: {  	v2 =	vld.idx.msk [tilespmem:v3+s2+$0x0], $0xffff  }
0x158: {  	v3 =	vor.u32 $0x26, v1;
	_ =	sdelay $0x3  }
0x159: {  	[tilespmem:s15+$0x14280] =	vst v2  }
0x15a: {  	v2 =	vld.idx.msk [tilespmem:v3+s2+$0x0], $0xffff  }
0x15b: {  	v3 =	vor.u32 $0x27, v1;
	_ =	sdelay $0x3  }
0x15c: {  	[tilespmem:s15+$0x14300] =	vst v2  }
0x15d: {  	v2 =	vld.idx.msk [tilespmem:v3+s2+$0x0], $0xffff  }
0x15e: {  	v3 =	vor.u32 $0x28, v1;
	_ =	sdelay $0x3  }
0x15f: {  	[tilespmem:s15+$0x14380] =	vst v2  }
0x160: {  	v2 =	vld.idx.msk [tilespmem:v3+s2+$0x0], $0xffff  }
0x161: {  	v3 =	vor.u32 $0x29, v1;
	_ =	sdelay $0x3  }
0x162: {  	[tilespmem:s15+$0x15000] =	vst v2  }
0x163: {  	v2 =	vld.idx.msk [tilespmem:v3+s2+$0x0], $0xffff  }
0x164: {  	v3 =	vor.u32 $0x2A, v1;
	_ =	sdelay $0x3  }
0x165: {  	[tilespmem:s15+$0x15080] =	vst v2  }
0x166: {  	v2 =	vld.idx.msk [tilespmem:v3+s2+$0x0], $0xffff  }
0x167: {  	v3 =	vor.u32 $0x2B, v1;
	_ =	sdelay $0x3  }
0x168: {  	[tilespmem:s15+$0x15100] =	vst v2  }
0x169: {  	v2 =	vld.idx.msk [tilespmem:v3+s2+$0x0], $0xffff  }
0x16a: {  	v3 =	vor.u32 $0x2C, v1;
	_ =	sdelay $0x3  }
0x16b: {  	[tilespmem:s15+$0x15180] =	vst v2  }
0x16c: {  	v2 =	vld.idx.msk [tilespmem:v3+s2+$0x0], $0xffff  }
0x16d: {  	v3 =	vor.u32 $0x2D, v1;
	_ =	sdelay $0x3  }
0x16e: {  	[tilespmem:s15+$0x15200] =	vst v2  }
0x16f: {  	v2 =	vld.idx.msk [tilespmem:v3+s2+$0x0], $0xffff  }
0x170: {  	v3 =	vor.u32 $0x2E, v1;
	_ =	sdelay $0x3  }
0x171: {  	[tilespmem:s15+$0x15280] =	vst v2  }
0x172: {  	v2 =	vld.idx.msk [tilespmem:v3+s2+$0x0], $0xffff  }
0x173: {  	v3 =	vor.u32 $0x2F, v1;
	_ =	sdelay $0x3  }
0x174: {  	[tilespmem:s15+$0x15300] =	vst v2  }
0x175: {  	v2 =	vld.idx.msk [tilespmem:v3+s2+$0x0], $0xffff  }
0x176: {  	v3 =	vor.u32 $0x30, v1;
	_ =	sdelay $0x3  }
0x177: {  	[tilespmem:s15+$0x15380] =	vst v2  }
0x178: {  	v2 =	vld.idx.msk [tilespmem:v3+s2+$0x0], $0xffff  }
0x179: {  	v3 =	vor.u32 $0x31, v1;
	_ =	sdelay $0x3  }
0x17a: {  	[tilespmem:s15+$0x16000] =	vst v2  }
0x17b: {  	v2 =	vld.idx.msk [tilespmem:v3+s2+$0x0], $0xffff  }
0x17c: {  	v3 =	vor.u32 $0x32, v1;
	_ =	sdelay $0x3  }
0x17d: {  	[tilespmem:s15+$0x16080] =	vst v2  }
0x17e: {  	v2 =	vld.idx.msk [tilespmem:v3+s2+$0x0], $0xffff  }
0x17f: {  	v3 =	vor.u32 $0x33, v1;
	_ =	sdelay $0x3  }
0x180: {  	[tilespmem:s15+$0x16100] =	vst v2  }
0x181: {  	v2 =	vld.idx.msk [tilespmem:v3+s2+$0x0], $0xffff  }
0x182: {  	v3 =	vor.u32 $0x34, v1;
	_ =	sdelay $0x3  }
0x183: {  	[tilespmem:s15+$0x16180] =	vst v2  }
0x184: {  	v2 =	vld.idx.msk [tilespmem:v3+s2+$0x0], $0xffff  }
0x185: {  	v3 =	vor.u32 $0x35, v1;
	_ =	sdelay $0x3  }
0x186: {  	[tilespmem:s15+$0x16200] =	vst v2  }
0x187: {  	v2 =	vld.idx.msk [tilespmem:v3+s2+$0x0], $0xffff  }
0x188: {  	v3 =	vor.u32 $0x36, v1;
	_ =	sdelay $0x3  }
0x189: {  	[tilespmem:s15+$0x16280] =	vst v2  }
0x18a: {  	v2 =	vld.idx.msk [tilespmem:v3+s2+$0x0], $0xffff  }
0x18b: {  	v3 =	vor.u32 $0x37, v1;
	_ =	sdelay $0x3  }
0x18c: {  	[tilespmem:s15+$0x16300] =	vst v2  }
0x18d: {  	v2 =	vld.idx.msk [tilespmem:v3+s2+$0x0], $0xffff  }
0x18e: {  	v3 =	vor.u32 $0x38, v1;
	_ =	sdelay $0x3  }
0x18f: {  	[tilespmem:s15+$0x16380] =	vst v2  }
0x190: {  	v2 =	vld.idx.msk [tilespmem:v3+s2+$0x0], $0xffff  }
0x191: {  	v3 =	vor.u32 $0x39, v1;
	_ =	sdelay $0x3  }
0x192: {  	[tilespmem:s15+$0x17000] =	vst v2  }
0x193: {  	v2 =	vld.idx.msk [tilespmem:v3+s2+$0x0], $0xffff  }
0x194: {  	v3 =	vor.u32 $0x3A, v1;
	_ =	sdelay $0x3  }
0x195: {  	[tilespmem:s15+$0x17080] =	vst v2  }
0x196: {  	v2 =	vld.idx.msk [tilespmem:v3+s2+$0x0], $0xffff  }
0x197: {  	v3 =	vor.u32 $0x3B, v1;
	_ =	sdelay $0x3  }
0x198: {  	[tilespmem:s15+$0x17100] =	vst v2  }
0x199: {  	v2 =	vld.idx.msk [tilespmem:v3+s2+$0x0], $0xffff  }
0x19a: {  	v3 =	vor.u32 $0x3C, v1;
	_ =	sdelay $0x3  }
0x19b: {  	[tilespmem:s15+$0x17180] =	vst v2  }
0x19c: {  	v2 =	vld.idx.msk [tilespmem:v3+s2+$0x0], $0xffff  }
0x19d: {  	v3 =	vor.u32 $0x3D, v1;
	_ =	sdelay $0x3  }
0x19e: {  	[tilespmem:s15+$0x17200] =	vst v2  }
0x19f: {  	v2 =	vld.idx.msk [tilespmem:v3+s2+$0x0], $0xffff  }
0x1a0: {  	v3 =	vor.u32 $0x3E, v1;
	_ =	sdelay $0x3  }
0x1a1: {  	[tilespmem:s15+$0x17280] =	vst v2  }
0x1a2: {  	v2 =	vld.idx.msk [tilespmem:v3+s2+$0x0], $0xffff  }
0x1a3: {  	v1 =	vor.u32 $0x3F, v1;
	_ =	sdelay $0x3  }
0x1a4: {  	[tilespmem:s15+$0x17300] =	vst v2  }
0x1a5: {  	p0 =	sne.s32 s14, $0x1F0;
	v1 =	vld.idx.msk [tilespmem:v1+s2+$0x0], $0xffff  }
.Ltmp1:
0x1a6: {  	_ = 	snop;
	(pc) =	sbr.rel @p0 .LBB2_4-.Ltmp1, $2  }
0x1a7: {  	_ =	sdelay $0x2  }
0x1a8: {  	s13 =	sadd.s32 $0x80, s13;
	s14 =	sadd.s32 $0x10, s14;
	[tilespmem:s15+$0x17380] =	vst v1  }
0x1a9: {  	s12 =	sadd.s32 $0x1, s12  }
0x1aa: {  	p0 =	sne.s32 s12, s7  }
.Ltmp2:
0x1ab: {  	_ = 	snop;
	(pc) =	sbr.rel @p0 .LBB2_1-.Ltmp2, $4  }
0x1ac: {  	[hbm4b:s6+s9] =	stream.strided.scatter [tilespmem:s11], [sflag:$0x1], $0x8000, s10, s9, $0x38;
	[tilespmem:$0x18080] =	vst v63  }
0x1ad: {  	_ =	swait.ge [sflag:s8], $0x8000  }
0x1ae: {  	[sflag:s8] =	ssyncset.done $0x0  }
0x1af: {  	[sflag:s8] =	ssyncadd.s32 $0xFFFF8000  }
0x1b0: {  	_ =	sfence.sel $0x180000  }
0x1b1: {  	[bflag:$0x0] =	sbarrier.arrive $0xFFFF  }
0x1b2: {  	p0 =	sne.s32 s1, $0x0;
	_ =	strace $0x90000047  }
0x1b3: {  	s0 =	sadd.s32 @!p0 $0x100000, s0;
	[bflag:$0x2] =	sbarrier.arrive $0xFFFF  }
0x1b4: {  	[sflag:s0] =	ssyncadd.tile.s32 @!p0 $0x1;
	_ =	shalt  }
.Lfunc_end2:
_tile_overlayer_lowered:
.L_overlay_start_2:
0x1b5: {  	(tag) =	ssettag $0x2  }
0x1b6: {  	s0 =	rddreg [dreg:$0x0];
	s2 =	stileid.u32  }
0x1b7: {  	s1 =	rddreg [dreg:$0x1];
	p0 =	sne.s32 s2, $0x0  }
0x1b8: {  	s3 =	rddreg [dreg:$0x2];
	[bflag:$0x3] =	sbarrier.arrive $0xFFFF;
	s2 =	simm.s32 @!p0 $0x1C01  }
0x1b9: {  	[timem:s3], [sflag:s2] =	dma.local @!p0 [hbm:s0], s1  }
0x1ba: {  	s0 =	simm.s32 @!p0 $0x1  }
0x1bb: {  	_ =	swait.ge @!p0 [sflag:s0], s1  }
0x1bc: {  	s1 =	ssub.s32 @!p0 $0x0, s1;
	[sflag:s0] =	ssyncset.done @!p0 $0x0  }
0x1bd: {  	[sflag:s0] =	ssyncadd.s32 @!p0 s1  }
0x1be: {  	[bflag:$0x3] =	sbarrier.arrive $0xFFFF  }
0x1bf: {  	_ =	shalt  }

</sc_bundles>
